<compile_context>
chip_gen: v7x
topology: tpu7x:2x2x1
jax: 0.10.2.dev20260603
libtpu: 0.0.44.dev20260713+nightly
codegen_flags: <defaults>
</compile_context>

<pallas_src>
import functools

import jax
import jax.numpy as jnp
import numpy as np
from jax import lax
from jax.experimental import pallas as pl
from jax.experimental.pallas import tpu as pltpu
from jax.experimental.pallas import tpu_sc as plsc

_BATCH = 4096
_NFIELD = 30
_EMBED = 64
_TABLE = 30000
_KEPT_COLS = np.array(
    [0, 1, 2, 4, 5, 6, 7, 10, 11, 12, 13, 14, 17, 18, 21, 22, 23]
    + list(range(26, 39)),
    dtype=np.int32,
)
_OFFSETS = (np.arange(_NFIELD, dtype=np.int32) * 1000)

_NC, _NS = 2, 16
_NW = _NC * _NS
_CHUNK = 128
_NB = 4

_BN_C = float(1.0 / np.sqrt(1.0 + 1e-5))


def _pad8(n):
    return (n + 7) // 8 * 8


def _make_sc_gather(ns):
    idx_w = ns * _NFIELD // _NW
    nchunk = idx_w // _CHUNK
    samp_w = ns // _NW
    half = _CHUNK // 2

    def sc_gather(idxq_hbm, idxt_hbm, emb_hbm, linw_hbm, rows_out, lin_out,
                  idx_v, idxt_v, rows_v, lin_v, linw_v,
                  g0, g1, g2, g3, w0, w1, w2, w3):
        gsems = (g0, g1, g2, g3)
        wsems = (w0, w1, w2, w3)
        wid = lax.axis_index("s") * _NC + lax.axis_index("c")
        pltpu.sync_copy(idxq_hbm.at[wid], idx_v)
        pltpu.sync_copy(idxt_hbm.at[wid], idxt_v)
        pltpu.sync_copy(linw_hbm, linw_v)

        out_base = wid * (idx_w // 2)

        def _start_gather(c, b):
            pltpu.async_copy(emb_hbm.at[idx_v.at[c, pl.ds(0, half)]],
                             rows_v.at[b, 0], gsems[b])
            pltpu.async_copy(emb_hbm.at[idx_v.at[c, pl.ds(half, half)]],
                             rows_v.at[b, 1], gsems[b])

        def _wait_gather(c, b):
            pltpu.make_async_copy(
                emb_hbm.at[idx_v.at[c, pl.ds(0, half)]], rows_v.at[b, 0],
                gsems[b]).wait()
            pltpu.make_async_copy(
                emb_hbm.at[idx_v.at[c, pl.ds(half, half)]], rows_v.at[b, 1],
                gsems[b]).wait()

        def _wb_descr(c, b):
            q0 = out_base + c * half
            k, s0 = q0 // ns, q0 % ns
            return (
                pltpu.make_async_copy(
                    rows_v.at[b, 0],
                    rows_out.at[k, pl.ds(s0, half), pl.ds(0, _EMBED)],
                    wsems[b]),
                pltpu.make_async_copy(
                    rows_v.at[b, 1],
                    rows_out.at[k, pl.ds(s0, half), pl.ds(_EMBED, _EMBED)],
                    wsems[b]),
            )

        def _start_wb(c, b):
            for d in _wb_descr(c, b):
                d.start()

        def _wait_wb(c, b):
            for d in _wb_descr(c, b):
                d.wait()

        for c in range(_NB - 1):
            _start_gather(c, c)

        def ring_body(i, carry):
            for b in range(_NB):
                c = _NB * i + b

                @pl.when(c < nchunk)
                def _():
                    _wait_gather(c, b)
                    _start_wb(c, b)

                cn = c + _NB - 1
                bn = (b + _NB - 1) % _NB

                @pl.when(cn < nchunk)
                def _():
                    @pl.when(cn >= _NB)
                    def _():
                        _wait_wb(cn - _NB, bn)
                    _start_gather(cn, bn)
            return carry

        lax.fori_loop(0, (nchunk + _NB - 1) // _NB, ring_body, 0)
        for c in range(max(nchunk - _NB, 0), nchunk):
            _wait_wb(c, c % _NB)

        for g in range(samp_w // 16):
            lin_v[pl.ds(g * 16, 16)] = jnp.zeros((16,), jnp.float32)

        def lin_field(f, carry):
            def lin_group(g, carry2):
                p = f * samp_w + g * 16
                idxs = idxt_v[p // 128, pl.ds(p % 128, 16)]
                vals = plsc.load_gather(linw_v, [idxs])
                lin_v[pl.ds(g * 16, 16)] = lin_v[pl.ds(g * 16, 16)] + vals
                return carry2

            return lax.fori_loop(0, samp_w // 16, lin_group, carry)

        lax.fori_loop(0, _NFIELD, lin_field, 0)
        pltpu.sync_copy(lin_v, lin_out.at[pl.ds(wid * samp_w, samp_w)])

    return pl.kernel(
        sc_gather,
        out_type=[
            jax.ShapeDtypeStruct((_NFIELD // 2, ns, 2 * _EMBED),
                                 jnp.float32),
            jax.ShapeDtypeStruct((ns,), jnp.float32),
        ],
        mesh=plsc.VectorSubcoreMesh(
            core_axis_name="c", subcore_axis_name="s",
            num_cores=_NC, num_subcores=_NS),
        compiler_params=pltpu.CompilerParams(
            use_tc_tiling_on_sc=False, needs_layout_passes=False),
        scratch_types=[
            pltpu.VMEM((_pad8(nchunk), _CHUNK), jnp.int32),
            pltpu.VMEM((_pad8(idx_w // 128), 128), jnp.int32),
            pltpu.VMEM((_NB, 2, _CHUNK // 2, _EMBED), jnp.float32),
            pltpu.VMEM((samp_w,), jnp.float32),
            pltpu.VMEM((_TABLE,), jnp.float32),
            pltpu.SemaphoreType.DMA, pltpu.SemaphoreType.DMA,
            pltpu.SemaphoreType.DMA, pltpu.SemaphoreType.DMA,
            pltpu.SemaphoreType.DMA, pltpu.SemaphoreType.DMA,
            pltpu.SemaphoreType.DMA, pltpu.SemaphoreType.DMA,
        ],
    )


def _mlp_body(h_ref, lin_ref, w1_ref, b1_ref, g1_ref, e1_ref,
              w2_ref, b2_ref, g2_ref, e2_ref,
              w3_ref, b3_ref, g3_ref, e3_ref,
              wo_ref, bo_ref, out_ref):
    h = jnp.concatenate(
        [h_ref[k] for k in range(_NFIELD // 2)], axis=1)
    z = jnp.dot(h.astype(jnp.bfloat16), w1_ref[...],
                preferred_element_type=jnp.float32)
    z = (z + b1_ref[...]) * (g1_ref[...] * _BN_C) + e1_ref[...]
    a = jnp.maximum(z, 0.0)
    z = jnp.dot(a.astype(jnp.bfloat16), w2_ref[...],
                preferred_element_type=jnp.float32)
    z = (z + b2_ref[...]) * (g2_ref[...] * _BN_C) + e2_ref[...]
    a = jnp.maximum(z, 0.0)
    z = jnp.dot(a.astype(jnp.bfloat16), w3_ref[...],
                preferred_element_type=jnp.float32)
    z = (z + b3_ref[...]) * (g3_ref[...] * _BN_C) + e3_ref[...]
    a = jnp.maximum(z, 0.0)
    o = jnp.dot(a.astype(jnp.bfloat16), wo_ref[...],
                preferred_element_type=jnp.float32)
    o = o[:, 0] + bo_ref[0, 0] + lin_ref[...]
    out_ref[...] = 1.0 / (1.0 + jnp.exp(-o))


_BT = 1024


def _mlp_call(h, lin2d, *weights):
    ns = h.shape[1]
    full = lambda shape: pl.BlockSpec(shape, lambda i: (0, 0))
    return pl.pallas_call(
        _mlp_body,
        grid=(ns // _BT,),
        in_specs=[
            pl.BlockSpec((_NFIELD // 2, _BT, 128), lambda i: (0, i, 0)),
            pl.BlockSpec((_BT,), lambda i: (i,)),
            full((1920, 512)), full((1, 512)), full((1, 512)), full((1, 512)),
            full((512, 256)), full((1, 256)), full((1, 256)), full((1, 256)),
            full((256, 128)), full((1, 128)), full((1, 128)), full((1, 128)),
            full((128, 1)), full((1, 1)),
        ],
        out_specs=pl.BlockSpec((_BT,), lambda i: (i,)),
        out_shape=jax.ShapeDtypeStruct((ns,), jnp.float32),
    )(h, lin2d, *weights)


_NSPLIT = 1
_NS_HALF = _BATCH // _NSPLIT
_sc_gather_half = _make_sc_gather(_NS_HALF)


def _half_idx(xi_h):
    ns = xi_h.shape[0]
    nchunk = ns * _NFIELD // (_NW * _CHUNK)
    ev = xi_h[:, 0::2].T.reshape(_NW, nchunk, _CHUNK // 2)
    od = xi_h[:, 1::2].T.reshape(_NW, nchunk, _CHUNK // 2)
    idxq = jnp.concatenate([ev, od], axis=2)
    idxq = jnp.pad(idxq, ((0, 0), (0, _pad8(nchunk) - nchunk), (0, 0)))
    nrow = ns * _NFIELD // (_NW * 128)
    idxt = (xi_h.reshape(_NW, ns // _NW, _NFIELD)
            .transpose(0, 2, 1).reshape(_NW, nrow, 128))
    idxt = jnp.pad(idxt, ((0, 0), (0, _pad8(nrow) - nrow), (0, 0)))
    return idxq, idxt


def kernel(x, additional, linear_w, linear_b, emb,
           W1, b1, g1, be1, W2, b2, g2, be2, W3, b3, g3, be3, Wo, bo):
    del additional
    emb = lax.optimization_barrier(emb)
    xi = (x[:, _KEPT_COLS].astype(jnp.int32)
          + jnp.asarray(_OFFSETS)[None, :])

    bf = jnp.bfloat16
    weights = (W1.astype(bf), b1.reshape(1, -1), g1.reshape(1, -1),
               be1.reshape(1, -1),
               W2.astype(bf), b2.reshape(1, -1), g2.reshape(1, -1),
               be2.reshape(1, -1),
               W3.astype(bf), b3.reshape(1, -1), g3.reshape(1, -1),
               be3.reshape(1, -1),
               Wo.astype(bf), (bo + linear_b).reshape(1, 1))

    outs = []
    for p in range(_NSPLIT):
        xi_h = xi[p * _NS_HALF:(p + 1) * _NS_HALF]
        idxq, idxt = _half_idx(xi_h)
        rows, lin = _sc_gather_half(idxq, idxt, emb,
                                    linear_w.reshape(_TABLE))
        outs.append(_mlp_call(rows, lin, *weights))
    return outs[0] if _NSPLIT == 1 else jnp.concatenate(outs)

# --- scband reference (transcript-rebuilt; emitter-appended) ---
"""Pipeline reference for scband-wide-and-deep-model-71863392797264 (READ-ONLY COPY).

The authoritative reference and input builder live on the scoring server;
editing this copy changes nothing except your own understanding.
"""

import jax, jax.numpy as jnp
import numpy as np

FIELD_DIMS = np.full(39, 1000, dtype=np.int64)
KEPT = np.hstack((FIELD_DIMS[:3], FIELD_DIMS[4:8], FIELD_DIMS[10:15], FIELD_DIMS[17:19], FIELD_DIMS[21:24], FIELD_DIMS[26:]))
OFFSETS = np.concatenate(([0], np.cumsum(KEPT)[:-1])).astype(np.int32)
TOTAL = int(KEPT.sum())
EMBED_DIM = 64
NUM_KEPT = len(KEPT)
MLP_DIMS = [512, 256, 128]
EMBED_OUT = NUM_KEPT * EMBED_DIM
BATCH = 4096


def setup_inputs(seed: int = 0) -> dict:
    key = jax.random.key(seed)
    ks = jax.random.split(key, 16)
    inp = {}
    inp['x'] = jax.random.randint(ks[0], (BATCH, 39), 0, 1000)
    inp['additional'] = jnp.zeros((BATCH, 1), dtype=jnp.float32)
    inp['linear_w'] = jax.random.normal(ks[1], (TOTAL, 1), dtype=jnp.float32) * 0.01
    inp['linear_b'] = jnp.zeros((1,), dtype=jnp.float32)
    inp['emb'] = jax.random.normal(ks[2], (TOTAL, EMBED_DIM), dtype=jnp.float32) * 0.01
    dims = [EMBED_OUT] + MLP_DIMS
    for i in range(3):
        inp['W%d' % (i + 1)] = jax.random.normal(ks[3 + i], (dims[i], dims[i + 1]), dtype=jnp.float32) * (1.0 / np.sqrt(dims[i]))
        inp['b%d' % (i + 1)] = jnp.zeros((dims[i + 1],), dtype=jnp.float32)
        inp['g%d' % (i + 1)] = jnp.ones((dims[i + 1],), dtype=jnp.float32)
        inp['be%d' % (i + 1)] = jnp.zeros((dims[i + 1],), dtype=jnp.float32)
    inp['Wo'] = jax.random.normal(ks[10], (MLP_DIMS[-1], 1), dtype=jnp.float32) * (1.0 / np.sqrt(MLP_DIMS[-1]))
    inp['bo'] = jnp.zeros((1,), dtype=jnp.float32)
    return inp


def _bn_eval(h, g, be, eps=1e-5):
    # BatchNorm1d in eval mode with fresh running stats (mean=0, var=1)
    return h / jnp.sqrt(1.0 + eps) * g + be


def reference(x, additional, linear_w, linear_b, emb, W1, b1, g1, be1, W2, b2, g2, be2, W3, b3, g3, be3, Wo, bo):
    # slice fields exactly like the torch forward
    xk = jnp.concatenate((x[:, :3], x[:, 4:8], x[:, 10:15], x[:, 17:19], x[:, 21:24], x[:, 26:]), axis=1)
    xi = xk + jnp.asarray(OFFSETS)[None, :]
    # FeaturesLinear: sum of per-field scalar weights + bias
    lin = jnp.sum(jnp.take(linear_w, xi, axis=0), axis=1) + linear_b  # [B, 1]
    # FeaturesEmbedding: gather [B, 30, 64]
    e = jnp.take(emb, xi, axis=0)
    h = e.reshape(e.shape[0], -1)  # [B, 1920]
    # MultiLayerPerceptron: Linear -> BN -> ReLU (dropout disabled, eval mode)
    h = jnp.maximum(_bn_eval(h @ W1 + b1, g1, be1), 0.0)
    h = jnp.maximum(_bn_eval(h @ W2 + b2, g2, be2), 0.0)
    h = jnp.maximum(_bn_eval(h @ W3 + b3, g3, be3), 0.0)
    out = h @ Wo + bo  # [B, 1]
    logit = lin + out
    return jax.nn.sigmoid(jnp.squeeze(logit, axis=1))

if __name__ == "__main__":
    import jax
    _d = setup_inputs()
    print(jax.jit(kernel)(*tuple(_d.values())))

</pallas_src>

<mosaic_0001>
#map = affine_map<(d0, d1) -> (0, 0, 0)>
#map1 = affine_map<(d0, d1) -> (0, 0)>
#map2 = affine_map<(d0, d1) -> (0)>
module attributes {stable_mosaic.version = 14 : i64} {
  func.func @sc_gather(%arg0: i32, %arg1: i32, %arg2: memref<32x32x128xi32, #tpu.memory_space<hbm>>, %arg3: memref<32x32x128xi32, #tpu.memory_space<hbm>>, %arg4: memref<30000x64xf32, #tpu.memory_space<hbm>>, %arg5: memref<30000xf32, #tpu.memory_space<hbm>>, %arg6: memref<15x4096x128xf32, #tpu.memory_space<hbm>>, %arg7: memref<4096xf32, #tpu.memory_space<hbm>>, %arg8: memref<32x128xi32, #tpu.memory_space<vmem>>, %arg9: memref<32x128xi32, #tpu.memory_space<vmem>>, %arg10: memref<4x2x64x64xf32, #tpu.memory_space<vmem>>, %arg11: memref<128xf32, #tpu.memory_space<vmem>>, %arg12: memref<30000xf32, #tpu.memory_space<vmem>>, %arg13: memref<!tpu.dma_semaphore, #tpu.memory_space<semaphore_mem>>, %arg14: memref<!tpu.dma_semaphore, #tpu.memory_space<semaphore_mem>>, %arg15: memref<!tpu.dma_semaphore, #tpu.memory_space<semaphore_mem>>, %arg16: memref<!tpu.dma_semaphore, #tpu.memory_space<semaphore_mem>>, %arg17: memref<!tpu.dma_semaphore, #tpu.memory_space<semaphore_mem>>, %arg18: memref<!tpu.dma_semaphore, #tpu.memory_space<semaphore_mem>>, %arg19: memref<!tpu.dma_semaphore, #tpu.memory_space<semaphore_mem>>, %arg20: memref<!tpu.dma_semaphore, #tpu.memory_space<semaphore_mem>>) attributes {dimension_semantics = [#tpu.dimension_semantics<core_parallel>, #tpu.dimension_semantics<subcore_parallel>], iteration_bounds = array<i64: 2, 16>, scalar_prefetch = 0 : i64, scratch_operands = 13 : i64, tpu.core_type = #tpu.core_type<sc_vector_subcore>, window_params = [{transform_indices = #map}, {transform_indices = #map}, {transform_indices = #map1}, {transform_indices = #map2}, {transform_indices = #map}, {transform_indices = #map2}]} {
    %mul3A = arith.constant 2 : i32
    %mul3A_0 = arith.muli %arg1, %mul3A : i32
    %add3A = arith.addi %mul3A_0, %arg0 : i32
    "tpu.region"() ({
      %run_scoped3A = tpu.sem_alloc : memref<!tpu.dma_semaphore, #tpu.memory_space<semaphore_mem>>
      %dma_start3A_408 = arith.constant 0 : i32
      %dma_start3A_409 = arith.constant 0 : i32
      %dma_start3A_410 = tpu.memref_slice %arg2[%add3A, %dma_start3A_408, %dma_start3A_409] : memref<32x32x128xi32, #tpu.memory_space<hbm>> -> memref<1x32x128xi32, #tpu.memory_space<hbm>>
      %dma_start3A_411 = tpu.memref_squeeze %dma_start3A_410 : memref<1x32x128xi32, #tpu.memory_space<hbm>> -> memref<32x128xi32, #tpu.memory_space<hbm>>
      %dma_start3A_412 = arith.constant 0 : i32
      %dma_start3A_413 = arith.constant 0 : i32
      %dma_start3A_414 = tpu.memref_slice %arg2[%add3A, %dma_start3A_412, %dma_start3A_413] : memref<32x32x128xi32, #tpu.memory_space<hbm>> -> memref<1x32x128xi32, #tpu.memory_space<hbm>>
      %dma_start3A_415 = tpu.memref_squeeze %dma_start3A_414 : memref<1x32x128xi32, #tpu.memory_space<hbm>> -> memref<32x128xi32, #tpu.memory_space<hbm>>
      tpu.enqueue_dma source(%dma_start3A_415 : memref<32x128xi32, #tpu.memory_space<hbm>>) target(%arg8 : memref<32x128xi32, #tpu.memory_space<vmem>>) target_semaphore(%run_scoped3A : memref<!tpu.dma_semaphore, #tpu.memory_space<semaphore_mem>>)
      %dma_wait3A_416 = arith.constant 0 : i32
      %dma_wait3A_417 = arith.constant 0 : i32
      %dma_wait3A_418 = tpu.memref_slice %arg2[%add3A, %dma_wait3A_416, %dma_wait3A_417] : memref<32x32x128xi32, #tpu.memory_space<hbm>> -> memref<1x32x128xi32, #tpu.memory_space<hbm>>
      %dma_wait3A_419 = tpu.memref_squeeze %dma_wait3A_418 : memref<1x32x128xi32, #tpu.memory_space<hbm>> -> memref<32x128xi32, #tpu.memory_space<hbm>>
      %dma_wait3A_420 = arith.constant 0 : i32
      %dma_wait3A_421 = arith.constant 0 : i32
      %dma_wait3A_422 = tpu.memref_slice %arg2[%add3A, %dma_wait3A_420, %dma_wait3A_421] : memref<32x32x128xi32, #tpu.memory_space<hbm>> -> memref<1x32x128xi32, #tpu.memory_space<hbm>>
      %dma_wait3A_423 = tpu.memref_squeeze %dma_wait3A_422 : memref<1x32x128xi32, #tpu.memory_space<hbm>> -> memref<32x128xi32, #tpu.memory_space<hbm>>
      tpu.wait_dma2 semaphore(%run_scoped3A : memref<!tpu.dma_semaphore, #tpu.memory_space<semaphore_mem>>) src(%dma_wait3A_423 : memref<32x128xi32, #tpu.memory_space<hbm>>) dst(%arg8 : memref<32x128xi32, #tpu.memory_space<vmem>>)
      tpu.yield
    }) : () -> ()
    "tpu.region"() ({
      %run_scoped3A = tpu.sem_alloc : memref<!tpu.dma_semaphore, #tpu.memory_space<semaphore_mem>>
      %dma_start3A_408 = arith.constant 0 : i32
      %dma_start3A_409 = arith.constant 0 : i32
      %dma_start3A_410 = tpu.memref_slice %arg3[%add3A, %dma_start3A_408, %dma_start3A_409] : memref<32x32x128xi32, #tpu.memory_space<hbm>> -> memref<1x32x128xi32, #tpu.memory_space<hbm>>
      %dma_start3A_411 = tpu.memref_squeeze %dma_start3A_410 : memref<1x32x128xi32, #tpu.memory_space<hbm>> -> memref<32x128xi32, #tpu.memory_space<hbm>>
      %dma_start3A_412 = arith.constant 0 : i32
      %dma_start3A_413 = arith.constant 0 : i32
      %dma_start3A_414 = tpu.memref_slice %arg3[%add3A, %dma_start3A_412, %dma_start3A_413] : memref<32x32x128xi32, #tpu.memory_space<hbm>> -> memref<1x32x128xi32, #tpu.memory_space<hbm>>
      %dma_start3A_415 = tpu.memref_squeeze %dma_start3A_414 : memref<1x32x128xi32, #tpu.memory_space<hbm>> -> memref<32x128xi32, #tpu.memory_space<hbm>>
      tpu.enqueue_dma source(%dma_start3A_415 : memref<32x128xi32, #tpu.memory_space<hbm>>) target(%arg9 : memref<32x128xi32, #tpu.memory_space<vmem>>) target_semaphore(%run_scoped3A : memref<!tpu.dma_semaphore, #tpu.memory_space<semaphore_mem>>)
      %dma_wait3A_416 = arith.constant 0 : i32
      %dma_wait3A_417 = arith.constant 0 : i32
      %dma_wait3A_418 = tpu.memref_slice %arg3[%add3A, %dma_wait3A_416, %dma_wait3A_417] : memref<32x32x128xi32, #tpu.memory_space<hbm>> -> memref<1x32x128xi32, #tpu.memory_space<hbm>>
      %dma_wait3A_419 = tpu.memref_squeeze %dma_wait3A_418 : memref<1x32x128xi32, #tpu.memory_space<hbm>> -> memref<32x128xi32, #tpu.memory_space<hbm>>
      %dma_wait3A_420 = arith.constant 0 : i32
      %dma_wait3A_421 = arith.constant 0 : i32
      %dma_wait3A_422 = tpu.memref_slice %arg3[%add3A, %dma_wait3A_420, %dma_wait3A_421] : memref<32x32x128xi32, #tpu.memory_space<hbm>> -> memref<1x32x128xi32, #tpu.memory_space<hbm>>
      %dma_wait3A_423 = tpu.memref_squeeze %dma_wait3A_422 : memref<1x32x128xi32, #tpu.memory_space<hbm>> -> memref<32x128xi32, #tpu.memory_space<hbm>>
      tpu.wait_dma2 semaphore(%run_scoped3A : memref<!tpu.dma_semaphore, #tpu.memory_space<semaphore_mem>>) src(%dma_wait3A_423 : memref<32x128xi32, #tpu.memory_space<hbm>>) dst(%arg9 : memref<32x128xi32, #tpu.memory_space<vmem>>)
      tpu.yield
    }) : () -> ()
    "tpu.region"() ({
      %run_scoped3A = tpu.sem_alloc : memref<!tpu.dma_semaphore, #tpu.memory_space<semaphore_mem>>
      tpu.enqueue_dma source(%arg5 : memref<30000xf32, #tpu.memory_space<hbm>>) target(%arg12 : memref<30000xf32, #tpu.memory_space<vmem>>) target_semaphore(%run_scoped3A : memref<!tpu.dma_semaphore, #tpu.memory_space<semaphore_mem>>)
      tpu.wait_dma2 semaphore(%run_scoped3A : memref<!tpu.dma_semaphore, #tpu.memory_space<semaphore_mem>>) src(%arg5 : memref<30000xf32, #tpu.memory_space<hbm>>) dst(%arg12 : memref<30000xf32, #tpu.memory_space<vmem>>)
      tpu.yield
    }) : () -> ()
    %mul3A_1 = arith.constant 1920 : i32
    %mul3A_2 = arith.muli %add3A, %mul3A_1 : i32
    %dma_start3A = arith.constant 0 : i32
    %dma_start3A_3 = arith.constant 0 : i32
    %dma_start3A_4 = arith.constant 0 : i32
    %dma_start3A_5 = arith.constant 0 : i32
    %dma_start3A_6 = arith.constant 0 : i32
    %dma_start3A_7 = tpu.memref_slice %arg10[%dma_start3A_3, %dma_start3A_4, %dma_start3A_5, %dma_start3A_6] : memref<4x2x64x64xf32, #tpu.memory_space<vmem>> -> memref<1x1x64x64xf32, #tpu.memory_space<vmem>>
    %dma_start3A_8 = tpu.memref_squeeze %dma_start3A_7 : memref<1x1x64x64xf32, #tpu.memory_space<vmem>> -> memref<64x64xf32, #tpu.memory_space<vmem>>
    %dma_start3A_9 = arith.constant 0 : i32
    %dma_start3A_10 = tpu.memref_slice %arg8[%dma_start3A, %dma_start3A_9] : memref<32x128xi32, #tpu.memory_space<vmem>> -> memref<1x64xi32, #tpu.memory_space<vmem>>
    %dma_start3A_11 = tpu.memref_squeeze %dma_start3A_10 : memref<1x64xi32, #tpu.memory_space<vmem>> -> memref<64xi32, #tpu.memory_space<vmem>>
    %dma_start3A_12 = arith.constant 0 : i32
    %dma_start3A_13 = arith.constant 0 : i32
    %dma_start3A_14 = tpu.memref_slice %arg4[%dma_start3A_12, %dma_start3A_13] : memref<30000x64xf32, #tpu.memory_space<hbm>> -> memref<30000x64xf32, #tpu.memory_space<hbm>>
    tpu.enqueue_indirect_dma source(%dma_start3A_14 : memref<30000x64xf32, #tpu.memory_space<hbm>>) target(%dma_start3A_8 : memref<64x64xf32, #tpu.memory_space<vmem>>) offsets(%dma_start3A_11 : memref<64xi32, #tpu.memory_space<vmem>>) semaphore(%arg13 : memref<!tpu.dma_semaphore, #tpu.memory_space<semaphore_mem>>)
    %dma_start3A_15 = arith.constant 0 : i32
    %dma_start3A_16 = arith.constant 0 : i32
    %dma_start3A_17 = arith.constant 1 : i32
    %dma_start3A_18 = arith.constant 0 : i32
    %dma_start3A_19 = arith.constant 0 : i32
    %dma_start3A_20 = tpu.memref_slice %arg10[%dma_start3A_16, %dma_start3A_17, %dma_start3A_18, %dma_start3A_19] : memref<4x2x64x64xf32, #tpu.memory_space<vmem>> -> memref<1x1x64x64xf32, #tpu.memory_space<vmem>>
    %dma_start3A_21 = tpu.memref_squeeze %dma_start3A_20 : memref<1x1x64x64xf32, #tpu.memory_space<vmem>> -> memref<64x64xf32, #tpu.memory_space<vmem>>
    %dma_start3A_22 = arith.constant 64 : i32
    %dma_start3A_23 = tpu.memref_slice %arg8[%dma_start3A_15, %dma_start3A_22] : memref<32x128xi32, #tpu.memory_space<vmem>> -> memref<1x64xi32, #tpu.memory_space<vmem>>
    %dma_start3A_24 = tpu.memref_squeeze %dma_start3A_23 : memref<1x64xi32, #tpu.memory_space<vmem>> -> memref<64xi32, #tpu.memory_space<vmem>>
    %dma_start3A_25 = arith.constant 0 : i32
    %dma_start3A_26 = arith.constant 0 : i32
    %dma_start3A_27 = tpu.memref_slice %arg4[%dma_start3A_25, %dma_start3A_26] : memref<30000x64xf32, #tpu.memory_space<hbm>> -> memref<30000x64xf32, #tpu.memory_space<hbm>>
    tpu.enqueue_indirect_dma source(%dma_start3A_27 : memref<30000x64xf32, #tpu.memory_space<hbm>>) target(%dma_start3A_21 : memref<64x64xf32, #tpu.memory_space<vmem>>) offsets(%dma_start3A_24 : memref<64xi32, #tpu.memory_space<vmem>>) semaphore(%arg13 : memref<!tpu.dma_semaphore, #tpu.memory_space<semaphore_mem>>)
    %dma_start3A_28 = arith.constant 1 : i32
    %dma_start3A_29 = arith.constant 1 : i32
    %dma_start3A_30 = arith.constant 0 : i32
    %dma_start3A_31 = arith.constant 0 : i32
    %dma_start3A_32 = arith.constant 0 : i32
    %dma_start3A_33 = tpu.memref_slice %arg10[%dma_start3A_29, %dma_start3A_30, %dma_start3A_31, %dma_start3A_32] : memref<4x2x64x64xf32, #tpu.memory_space<vmem>> -> memref<1x1x64x64xf32, #tpu.memory_space<vmem>>
    %dma_start3A_34 = tpu.memref_squeeze %dma_start3A_33 : memref<1x1x64x64xf32, #tpu.memory_space<vmem>> -> memref<64x64xf32, #tpu.memory_space<vmem>>
    %dma_start3A_35 = arith.constant 0 : i32
    %dma_start3A_36 = tpu.memref_slice %arg8[%dma_start3A_28, %dma_start3A_35] : memref<32x128xi32, #tpu.memory_space<vmem>> -> memref<1x64xi32, #tpu.memory_space<vmem>>
    %dma_start3A_37 = tpu.memref_squeeze %dma_start3A_36 : memref<1x64xi32, #tpu.memory_space<vmem>> -> memref<64xi32, #tpu.memory_space<vmem>>
    %dma_start3A_38 = arith.constant 0 : i32
    %dma_start3A_39 = arith.constant 0 : i32
    %dma_start3A_40 = tpu.memref_slice %arg4[%dma_start3A_38, %dma_start3A_39] : memref<30000x64xf32, #tpu.memory_space<hbm>> -> memref<30000x64xf32, #tpu.memory_space<hbm>>
    tpu.enqueue_indirect_dma source(%dma_start3A_40 : memref<30000x64xf32, #tpu.memory_space<hbm>>) target(%dma_start3A_34 : memref<64x64xf32, #tpu.memory_space<vmem>>) offsets(%dma_start3A_37 : memref<64xi32, #tpu.memory_space<vmem>>) semaphore(%arg14 : memref<!tpu.dma_semaphore, #tpu.memory_space<semaphore_mem>>)
    %dma_start3A_41 = arith.constant 1 : i32
    %dma_start3A_42 = arith.constant 1 : i32
    %dma_start3A_43 = arith.constant 1 : i32
    %dma_start3A_44 = arith.constant 0 : i32
    %dma_start3A_45 = arith.constant 0 : i32
    %dma_start3A_46 = tpu.memref_slice %arg10[%dma_start3A_42, %dma_start3A_43, %dma_start3A_44, %dma_start3A_45] : memref<4x2x64x64xf32, #tpu.memory_space<vmem>> -> memref<1x1x64x64xf32, #tpu.memory_space<vmem>>
    %dma_start3A_47 = tpu.memref_squeeze %dma_start3A_46 : memref<1x1x64x64xf32, #tpu.memory_space<vmem>> -> memref<64x64xf32, #tpu.memory_space<vmem>>
    %dma_start3A_48 = arith.constant 64 : i32
    %dma_start3A_49 = tpu.memref_slice %arg8[%dma_start3A_41, %dma_start3A_48] : memref<32x128xi32, #tpu.memory_space<vmem>> -> memref<1x64xi32, #tpu.memory_space<vmem>>
    %dma_start3A_50 = tpu.memref_squeeze %dma_start3A_49 : memref<1x64xi32, #tpu.memory_space<vmem>> -> memref<64xi32, #tpu.memory_space<vmem>>
    %dma_start3A_51 = arith.constant 0 : i32
    %dma_start3A_52 = arith.constant 0 : i32
    %dma_start3A_53 = tpu.memref_slice %arg4[%dma_start3A_51, %dma_start3A_52] : memref<30000x64xf32, #tpu.memory_space<hbm>> -> memref<30000x64xf32, #tpu.memory_space<hbm>>
    tpu.enqueue_indirect_dma source(%dma_start3A_53 : memref<30000x64xf32, #tpu.memory_space<hbm>>) target(%dma_start3A_47 : memref<64x64xf32, #tpu.memory_space<vmem>>) offsets(%dma_start3A_50 : memref<64xi32, #tpu.memory_space<vmem>>) semaphore(%arg14 : memref<!tpu.dma_semaphore, #tpu.memory_space<semaphore_mem>>)
    %dma_start3A_54 = arith.constant 2 : i32
    %dma_start3A_55 = arith.constant 2 : i32
    %dma_start3A_56 = arith.constant 0 : i32
    %dma_start3A_57 = arith.constant 0 : i32
    %dma_start3A_58 = arith.constant 0 : i32
    %dma_start3A_59 = tpu.memref_slice %arg10[%dma_start3A_55, %dma_start3A_56, %dma_start3A_57, %dma_start3A_58] : memref<4x2x64x64xf32, #tpu.memory_space<vmem>> -> memref<1x1x64x64xf32, #tpu.memory_space<vmem>>
    %dma_start3A_60 = tpu.memref_squeeze %dma_start3A_59 : memref<1x1x64x64xf32, #tpu.memory_space<vmem>> -> memref<64x64xf32, #tpu.memory_space<vmem>>
    %dma_start3A_61 = arith.constant 0 : i32
    %dma_start3A_62 = tpu.memref_slice %arg8[%dma_start3A_54, %dma_start3A_61] : memref<32x128xi32, #tpu.memory_space<vmem>> -> memref<1x64xi32, #tpu.memory_space<vmem>>
    %dma_start3A_63 = tpu.memref_squeeze %dma_start3A_62 : memref<1x64xi32, #tpu.memory_space<vmem>> -> memref<64xi32, #tpu.memory_space<vmem>>
    %dma_start3A_64 = arith.constant 0 : i32
    %dma_start3A_65 = arith.constant 0 : i32
    %dma_start3A_66 = tpu.memref_slice %arg4[%dma_start3A_64, %dma_start3A_65] : memref<30000x64xf32, #tpu.memory_space<hbm>> -> memref<30000x64xf32, #tpu.memory_space<hbm>>
    tpu.enqueue_indirect_dma source(%dma_start3A_66 : memref<30000x64xf32, #tpu.memory_space<hbm>>) target(%dma_start3A_60 : memref<64x64xf32, #tpu.memory_space<vmem>>) offsets(%dma_start3A_63 : memref<64xi32, #tpu.memory_space<vmem>>) semaphore(%arg15 : memref<!tpu.dma_semaphore, #tpu.memory_space<semaphore_mem>>)
    %dma_start3A_67 = arith.constant 2 : i32
    %dma_start3A_68 = arith.constant 2 : i32
    %dma_start3A_69 = arith.constant 1 : i32
    %dma_start3A_70 = arith.constant 0 : i32
    %dma_start3A_71 = arith.constant 0 : i32
    %dma_start3A_72 = tpu.memref_slice %arg10[%dma_start3A_68, %dma_start3A_69, %dma_start3A_70, %dma_start3A_71] : memref<4x2x64x64xf32, #tpu.memory_space<vmem>> -> memref<1x1x64x64xf32, #tpu.memory_space<vmem>>
    %dma_start3A_73 = tpu.memref_squeeze %dma_start3A_72 : memref<1x1x64x64xf32, #tpu.memory_space<vmem>> -> memref<64x64xf32, #tpu.memory_space<vmem>>
    %dma_start3A_74 = arith.constant 64 : i32
    %dma_start3A_75 = tpu.memref_slice %arg8[%dma_start3A_67, %dma_start3A_74] : memref<32x128xi32, #tpu.memory_space<vmem>> -> memref<1x64xi32, #tpu.memory_space<vmem>>
    %dma_start3A_76 = tpu.memref_squeeze %dma_start3A_75 : memref<1x64xi32, #tpu.memory_space<vmem>> -> memref<64xi32, #tpu.memory_space<vmem>>
    %dma_start3A_77 = arith.constant 0 : i32
    %dma_start3A_78 = arith.constant 0 : i32
    %dma_start3A_79 = tpu.memref_slice %arg4[%dma_start3A_77, %dma_start3A_78] : memref<30000x64xf32, #tpu.memory_space<hbm>> -> memref<30000x64xf32, #tpu.memory_space<hbm>>
    tpu.enqueue_indirect_dma source(%dma_start3A_79 : memref<30000x64xf32, #tpu.memory_space<hbm>>) target(%dma_start3A_73 : memref<64x64xf32, #tpu.memory_space<vmem>>) offsets(%dma_start3A_76 : memref<64xi32, #tpu.memory_space<vmem>>) semaphore(%arg15 : memref<!tpu.dma_semaphore, #tpu.memory_space<semaphore_mem>>)
    %scan3A = arith.constant 0 : i32
    %scan3A_80 = arith.constant 0 : i32
    %scan3A_81 = arith.constant 8 : i32
    %scan3A_82 = arith.addi %scan3A_80, %scan3A_81 : i32
    %scan3A_83 = arith.constant 1 : i32
    scf.for %scan3A_408 = %scan3A_80 to %scan3A_82 step %scan3A_83  : i32 {
      %mul3A_409 = arith.constant 4 : i32
      %mul3A_410 = arith.muli %mul3A_409, %scan3A_408 : i32
      %add3A_411 = arith.constant 0 : i32
      %add3A_412 = arith.addi %mul3A_410, %add3A_411 : i32
      %lt3A_413 = arith.constant 30 : i32
      %lt3A_414 = arith.cmpi slt, %add3A_412, %lt3A_413 : i32
      %convert_element_type3A = arith.extui %lt3A_414 : i1 to i32
      %cond3A = arith.constant 0 : i32
      %cond3A_415 = arith.cmpi ne, %convert_element_type3A, %cond3A : i32
      scf.if %cond3A_415 {
        %dma_wait3A_479 = arith.constant 0 : i32
        %dma_wait3A_480 = arith.constant 0 : i32
        %dma_wait3A_481 = arith.constant 0 : i32
        %dma_wait3A_482 = arith.constant 0 : i32
        %dma_wait3A_483 = tpu.memref_slice %arg10[%dma_wait3A_479, %dma_wait3A_480, %dma_wait3A_481, %dma_wait3A_482] : memref<4x2x64x64xf32, #tpu.memory_space<vmem>> -> memref<1x1x64x64xf32, #tpu.memory_space<vmem>>
        %dma_wait3A_484 = tpu.memref_squeeze %dma_wait3A_483 : memref<1x1x64x64xf32, #tpu.memory_space<vmem>> -> memref<64x64xf32, #tpu.memory_space<vmem>>
        %dma_wait3A_485 = arith.constant 0 : i32
        %dma_wait3A_486 = tpu.memref_slice %arg8[%add3A_412, %dma_wait3A_485] : memref<32x128xi32, #tpu.memory_space<vmem>> -> memref<1x64xi32, #tpu.memory_space<vmem>>
        %dma_wait3A_487 = tpu.memref_squeeze %dma_wait3A_486 : memref<1x64xi32, #tpu.memory_space<vmem>> -> memref<64xi32, #tpu.memory_space<vmem>>
        %dma_wait3A_488 = arith.constant 0 : i32
        %dma_wait3A_489 = arith.constant 0 : i32
        %dma_wait3A_490 = tpu.memref_slice %arg4[%dma_wait3A_488, %dma_wait3A_489] : memref<30000x64xf32, #tpu.memory_space<hbm>> -> memref<30000x64xf32, #tpu.memory_space<hbm>>
        tpu.wait_indirect_dma semaphore(%arg13 : memref<!tpu.dma_semaphore, #tpu.memory_space<semaphore_mem>>) src(%dma_wait3A_490 : memref<30000x64xf32, #tpu.memory_space<hbm>>) dst(%dma_wait3A_484 : memref<64x64xf32, #tpu.memory_space<vmem>>)
        %dma_wait3A_491 = arith.constant 0 : i32
        %dma_wait3A_492 = arith.constant 1 : i32
        %dma_wait3A_493 = arith.constant 0 : i32
        %dma_wait3A_494 = arith.constant 0 : i32
        %dma_wait3A_495 = tpu.memref_slice %arg10[%dma_wait3A_491, %dma_wait3A_492, %dma_wait3A_493, %dma_wait3A_494] : memref<4x2x64x64xf32, #tpu.memory_space<vmem>> -> memref<1x1x64x64xf32, #tpu.memory_space<vmem>>
        %dma_wait3A_496 = tpu.memref_squeeze %dma_wait3A_495 : memref<1x1x64x64xf32, #tpu.memory_space<vmem>> -> memref<64x64xf32, #tpu.memory_space<vmem>>
        %dma_wait3A_497 = arith.constant 64 : i32
        %dma_wait3A_498 = tpu.memref_slice %arg8[%add3A_412, %dma_wait3A_497] : memref<32x128xi32, #tpu.memory_space<vmem>> -> memref<1x64xi32, #tpu.memory_space<vmem>>
        %dma_wait3A_499 = tpu.memref_squeeze %dma_wait3A_498 : memref<1x64xi32, #tpu.memory_space<vmem>> -> memref<64xi32, #tpu.memory_space<vmem>>
        %dma_wait3A_500 = arith.constant 0 : i32
        %dma_wait3A_501 = arith.constant 0 : i32
        %dma_wait3A_502 = tpu.memref_slice %arg4[%dma_wait3A_500, %dma_wait3A_501] : memref<30000x64xf32, #tpu.memory_space<hbm>> -> memref<30000x64xf32, #tpu.memory_space<hbm>>
        tpu.wait_indirect_dma semaphore(%arg13 : memref<!tpu.dma_semaphore, #tpu.memory_space<semaphore_mem>>) src(%dma_wait3A_502 : memref<30000x64xf32, #tpu.memory_space<hbm>>) dst(%dma_wait3A_496 : memref<64x64xf32, #tpu.memory_space<vmem>>)
        %mul3A_503 = arith.constant 64 : i32
        %mul3A_504 = arith.muli %add3A_412, %mul3A_503 : i32
        %add3A_505 = arith.addi %mul3A_2, %mul3A_504 : i32
        %jit3A_506 = arith.constant 4096 : i32
        %div3A_507 = arith.divsi %add3A_505, %jit3A_506 : i32
        %sign3A_508 = arith.constant 0 : i32
        %sign3A_509 = arith.cmpi sgt, %add3A_505, %sign3A_508 : i32
        %sign3A_510 = arith.extui %sign3A_509 : i1 to i32
        %sign3A_511 = arith.constant 0 : i32
        %sign3A_512 = arith.cmpi slt, %add3A_505, %sign3A_511 : i32
        %sign3A_513 = arith.extui %sign3A_512 : i1 to i32
        %sign3A_514 = arith.subi %sign3A_510, %sign3A_513 : i32
        %sign3A_515 = arith.constant 0 : i32
        %sign3A_516 = arith.cmpi sgt, %jit3A_506, %sign3A_515 : i32
        %sign3A_517 = arith.extui %sign3A_516 : i1 to i32
        %sign3A_518 = arith.constant 0 : i32
        %sign3A_519 = arith.cmpi slt, %jit3A_506, %sign3A_518 : i32
        %sign3A_520 = arith.extui %sign3A_519 : i1 to i32
        %sign3A_521 = arith.subi %sign3A_517, %sign3A_520 : i32
        %ne3A_522 = arith.cmpi ne, %sign3A_514, %sign3A_521 : i32
        %rem3A_523 = arith.remsi %add3A_505, %jit3A_506 : i32
        %ne3A_524 = arith.constant 0 : i32
        %ne3A_525 = arith.cmpi ne, %rem3A_523, %ne3A_524 : i32
        %and3A_526 = arith.andi %ne3A_522, %ne3A_525 : i1
        %sub3A_527 = arith.constant 1 : i32
        %sub3A_528 = arith.subi %div3A_507, %sub3A_527 : i32
        %select_n3A_529 = arith.select %and3A_526, %sub3A_528, %div3A_507 : i32
        %jit3A_530 = arith.constant 4096 : i32
        %eq3A_531 = arith.constant 0 : i32
        %eq3A_532 = arith.cmpi eq, %jit3A_530, %eq3A_531 : i32
        %jit3A_533 = arith.constant 1 : i32
        %select_n3A_534 = arith.select %eq3A_532, %jit3A_533, %jit3A_530 : i32
        %rem3A_535 = arith.remsi %add3A_505, %select_n3A_534 : i32
        %ne3A_536 = arith.constant 0 : i32
        %ne3A_537 = arith.cmpi ne, %rem3A_535, %ne3A_536 : i32
        %lt3A_538 = arith.constant 0 : i32
        %lt3A_539 = arith.cmpi slt, %rem3A_535, %lt3A_538 : i32
        %lt3A_540 = arith.constant 0 : i32
        %lt3A_541 = arith.cmpi slt, %select_n3A_534, %lt3A_540 : i32
        %ne3A_542 = arith.xori %lt3A_539, %lt3A_541 : i1
        %and3A_543 = arith.andi %ne3A_542, %ne3A_537 : i1
        %add3A_544 = arith.addi %rem3A_535, %select_n3A_534 : i32
        %select_n3A_545 = arith.select %and3A_543, %add3A_544, %rem3A_535 : i32
        %dma_start3A_546 = arith.constant 0 : i32
        %dma_start3A_547 = arith.constant 0 : i32
        %dma_start3A_548 = arith.constant 0 : i32
        %dma_start3A_549 = arith.constant 0 : i32
        %dma_start3A_550 = tpu.memref_slice %arg10[%dma_start3A_546, %dma_start3A_547, %dma_start3A_548, %dma_start3A_549] : memref<4x2x64x64xf32, #tpu.memory_space<vmem>> -> memref<1x1x64x64xf32, #tpu.memory_space<vmem>>
        %dma_start3A_551 = tpu.memref_squeeze %dma_start3A_550 : memref<1x1x64x64xf32, #tpu.memory_space<vmem>> -> memref<64x64xf32, #tpu.memory_space<vmem>>
        %dma_start3A_552 = arith.constant 0 : i32
        %dma_start3A_553 = tpu.memref_slice %arg6[%select_n3A_529, %select_n3A_545, %dma_start3A_552] : memref<15x4096x128xf32, #tpu.memory_space<hbm>> -> memref<1x64x64xf32, #tpu.memory_space<hbm>>
        %dma_start3A_554 = tpu.memref_squeeze %dma_start3A_553 : memref<1x64x64xf32, #tpu.memory_space<hbm>> -> memref<64x64xf32, #tpu.memory_space<hbm>>
        %dma_start3A_555 = arith.constant 0 : i32
        %dma_start3A_556 = tpu.memref_slice %arg6[%select_n3A_529, %select_n3A_545, %dma_start3A_555] : memref<15x4096x128xf32, #tpu.memory_space<hbm>> -> memref<1x64x64xf32, #tpu.memory_space<hbm>>
        %dma_start3A_557 = tpu.memref_squeeze %dma_start3A_556 : memref<1x64x64xf32, #tpu.memory_space<hbm>> -> memref<64x64xf32, #tpu.memory_space<hbm>>
        %dma_start3A_558 = arith.constant 0 : i32
        %dma_start3A_559 = arith.constant 0 : i32
        %dma_start3A_560 = tpu.memref_slice %arg10[%dma_start3A_546, %dma_start3A_547, %dma_start3A_558, %dma_start3A_559] : memref<4x2x64x64xf32, #tpu.memory_space<vmem>> -> memref<1x1x64x64xf32, #tpu.memory_space<vmem>>
        %dma_start3A_561 = tpu.memref_squeeze %dma_start3A_560 : memref<1x1x64x64xf32, #tpu.memory_space<vmem>> -> memref<64x64xf32, #tpu.memory_space<vmem>>
        tpu.enqueue_dma source(%dma_start3A_561 : memref<64x64xf32, #tpu.memory_space<vmem>>) target(%dma_start3A_557 : memref<64x64xf32, #tpu.memory_space<hbm>>) target_semaphore(%arg17 : memref<!tpu.dma_semaphore, #tpu.memory_space<semaphore_mem>>)
        %dma_start3A_562 = arith.constant 0 : i32
        %dma_start3A_563 = arith.constant 1 : i32
        %dma_start3A_564 = arith.constant 0 : i32
        %dma_start3A_565 = arith.constant 0 : i32
        %dma_start3A_566 = tpu.memref_slice %arg10[%dma_start3A_562, %dma_start3A_563, %dma_start3A_564, %dma_start3A_565] : memref<4x2x64x64xf32, #tpu.memory_space<vmem>> -> memref<1x1x64x64xf32, #tpu.memory_space<vmem>>
        %dma_start3A_567 = tpu.memref_squeeze %dma_start3A_566 : memref<1x1x64x64xf32, #tpu.memory_space<vmem>> -> memref<64x64xf32, #tpu.memory_space<vmem>>
        %dma_start3A_568 = arith.constant 64 : i32
        %dma_start3A_569 = tpu.memref_slice %arg6[%select_n3A_529, %select_n3A_545, %dma_start3A_568] : memref<15x4096x128xf32, #tpu.memory_space<hbm>> -> memref<1x64x64xf32, #tpu.memory_space<hbm>>
        %dma_start3A_570 = tpu.memref_squeeze %dma_start3A_569 : memref<1x64x64xf32, #tpu.memory_space<hbm>> -> memref<64x64xf32, #tpu.memory_space<hbm>>
        %dma_start3A_571 = arith.constant 64 : i32
        %dma_start3A_572 = tpu.memref_slice %arg6[%select_n3A_529, %select_n3A_545, %dma_start3A_571] : memref<15x4096x128xf32, #tpu.memory_space<hbm>> -> memref<1x64x64xf32, #tpu.memory_space<hbm>>
        %dma_start3A_573 = tpu.memref_squeeze %dma_start3A_572 : memref<1x64x64xf32, #tpu.memory_space<hbm>> -> memref<64x64xf32, #tpu.memory_space<hbm>>
        %dma_start3A_574 = arith.constant 0 : i32
        %dma_start3A_575 = arith.constant 0 : i32
        %dma_start3A_576 = tpu.memref_slice %arg10[%dma_start3A_562, %dma_start3A_563, %dma_start3A_574, %dma_start3A_575] : memref<4x2x64x64xf32, #tpu.memory_space<vmem>> -> memref<1x1x64x64xf32, #tpu.memory_space<vmem>>
        %dma_start3A_577 = tpu.memref_squeeze %dma_start3A_576 : memref<1x1x64x64xf32, #tpu.memory_space<vmem>> -> memref<64x64xf32, #tpu.memory_space<vmem>>
        tpu.enqueue_dma source(%dma_start3A_577 : memref<64x64xf32, #tpu.memory_space<vmem>>) target(%dma_start3A_573 : memref<64x64xf32, #tpu.memory_space<hbm>>) target_semaphore(%arg17 : memref<!tpu.dma_semaphore, #tpu.memory_space<semaphore_mem>>)
      } else {
      }
      %add3A_416 = arith.constant 4 : i32
      %add3A_417 = arith.addi %add3A_412, %add3A_416 : i32
      %sub3A_418 = arith.constant 1 : i32
      %sub3A_419 = arith.subi %add3A_417, %sub3A_418 : i32
      %lt3A_420 = arith.constant 30 : i32
      %lt3A_421 = arith.cmpi slt, %sub3A_419, %lt3A_420 : i32
      %convert_element_type3A_422 = arith.extui %lt3A_421 : i1 to i32
      %cond3A_423 = arith.constant 0 : i32
      %cond3A_424 = arith.cmpi ne, %convert_element_type3A_422, %cond3A_423 : i32
      scf.if %cond3A_424 {
        %ge3A = arith.constant 4 : i32
        %ge3A_479 = arith.cmpi sge, %sub3A_419, %ge3A : i32
        %convert_element_type3A_480 = arith.extui %ge3A_479 : i1 to i32
        %cond3A_481 = arith.constant 0 : i32
        %cond3A_482 = arith.cmpi ne, %convert_element_type3A_480, %cond3A_481 : i32
        scf.if %cond3A_482 {
          %sub3A_507 = arith.constant 4 : i32
          %sub3A_508 = arith.subi %sub3A_419, %sub3A_507 : i32
          %mul3A_509 = arith.constant 64 : i32
          %mul3A_510 = arith.muli %sub3A_508, %mul3A_509 : i32
          %add3A_511 = arith.addi %mul3A_2, %mul3A_510 : i32
          %jit3A_512 = arith.constant 4096 : i32
          %div3A_513 = arith.divsi %add3A_511, %jit3A_512 : i32
          %sign3A_514 = arith.constant 0 : i32
          %sign3A_515 = arith.cmpi sgt, %add3A_511, %sign3A_514 : i32
          %sign3A_516 = arith.extui %sign3A_515 : i1 to i32
          %sign3A_517 = arith.constant 0 : i32
          %sign3A_518 = arith.cmpi slt, %add3A_511, %sign3A_517 : i32
          %sign3A_519 = arith.extui %sign3A_518 : i1 to i32
          %sign3A_520 = arith.subi %sign3A_516, %sign3A_519 : i32
          %sign3A_521 = arith.constant 0 : i32
          %sign3A_522 = arith.cmpi sgt, %jit3A_512, %sign3A_521 : i32
          %sign3A_523 = arith.extui %sign3A_522 : i1 to i32
          %sign3A_524 = arith.constant 0 : i32
          %sign3A_525 = arith.cmpi slt, %jit3A_512, %sign3A_524 : i32
          %sign3A_526 = arith.extui %sign3A_525 : i1 to i32
          %sign3A_527 = arith.subi %sign3A_523, %sign3A_526 : i32
          %ne3A_528 = arith.cmpi ne, %sign3A_520, %sign3A_527 : i32
          %rem3A_529 = arith.remsi %add3A_511, %jit3A_512 : i32
          %ne3A_530 = arith.constant 0 : i32
          %ne3A_531 = arith.cmpi ne, %rem3A_529, %ne3A_530 : i32
          %and3A_532 = arith.andi %ne3A_528, %ne3A_531 : i1
          %sub3A_533 = arith.constant 1 : i32
          %sub3A_534 = arith.subi %div3A_513, %sub3A_533 : i32
          %select_n3A_535 = arith.select %and3A_532, %sub3A_534, %div3A_513 : i32
          %jit3A_536 = arith.constant 4096 : i32
          %eq3A_537 = arith.constant 0 : i32
          %eq3A_538 = arith.cmpi eq, %jit3A_536, %eq3A_537 : i32
          %jit3A_539 = arith.constant 1 : i32
          %select_n3A_540 = arith.select %eq3A_538, %jit3A_539, %jit3A_536 : i32
          %rem3A_541 = arith.remsi %add3A_511, %select_n3A_540 : i32
          %ne3A_542 = arith.constant 0 : i32
          %ne3A_543 = arith.cmpi ne, %rem3A_541, %ne3A_542 : i32
          %lt3A_544 = arith.constant 0 : i32
          %lt3A_545 = arith.cmpi slt, %rem3A_541, %lt3A_544 : i32
          %lt3A_546 = arith.constant 0 : i32
          %lt3A_547 = arith.cmpi slt, %select_n3A_540, %lt3A_546 : i32
          %ne3A_548 = arith.xori %lt3A_545, %lt3A_547 : i1
          %and3A_549 = arith.andi %ne3A_548, %ne3A_543 : i1
          %add3A_550 = arith.addi %rem3A_541, %select_n3A_540 : i32
          %select_n3A_551 = arith.select %and3A_549, %add3A_550, %rem3A_541 : i32
          %dma_wait3A_552 = arith.constant 3 : i32
          %dma_wait3A_553 = arith.constant 0 : i32
          %dma_wait3A_554 = arith.constant 0 : i32
          %dma_wait3A_555 = arith.constant 0 : i32
          %dma_wait3A_556 = tpu.memref_slice %arg10[%dma_wait3A_552, %dma_wait3A_553, %dma_wait3A_554, %dma_wait3A_555] : memref<4x2x64x64xf32, #tpu.memory_space<vmem>> -> memref<1x1x64x64xf32, #tpu.memory_space<vmem>>
          %dma_wait3A_557 = tpu.memref_squeeze %dma_wait3A_556 : memref<1x1x64x64xf32, #tpu.memory_space<vmem>> -> memref<64x64xf32, #tpu.memory_space<vmem>>
          %dma_wait3A_558 = arith.constant 0 : i32
          %dma_wait3A_559 = tpu.memref_slice %arg6[%select_n3A_535, %select_n3A_551, %dma_wait3A_558] : memref<15x4096x128xf32, #tpu.memory_space<hbm>> -> memref<1x64x64xf32, #tpu.memory_space<hbm>>
          %dma_wait3A_560 = tpu.memref_squeeze %dma_wait3A_559 : memref<1x64x64xf32, #tpu.memory_space<hbm>> -> memref<64x64xf32, #tpu.memory_space<hbm>>
          %dma_wait3A_561 = arith.constant 0 : i32
          %dma_wait3A_562 = tpu.memref_slice %arg6[%select_n3A_535, %select_n3A_551, %dma_wait3A_561] : memref<15x4096x128xf32, #tpu.memory_space<hbm>> -> memref<1x64x64xf32, #tpu.memory_space<hbm>>
          %dma_wait3A_563 = tpu.memref_squeeze %dma_wait3A_562 : memref<1x64x64xf32, #tpu.memory_space<hbm>> -> memref<64x64xf32, #tpu.memory_space<hbm>>
          %dma_wait3A_564 = arith.constant 0 : i32
          %dma_wait3A_565 = arith.constant 0 : i32
          %dma_wait3A_566 = tpu.memref_slice %arg10[%dma_wait3A_552, %dma_wait3A_553, %dma_wait3A_564, %dma_wait3A_565] : memref<4x2x64x64xf32, #tpu.memory_space<vmem>> -> memref<1x1x64x64xf32, #tpu.memory_space<vmem>>
          %dma_wait3A_567 = tpu.memref_squeeze %dma_wait3A_566 : memref<1x1x64x64xf32, #tpu.memory_space<vmem>> -> memref<64x64xf32, #tpu.memory_space<vmem>>
          tpu.wait_dma2 semaphore(%arg20 : memref<!tpu.dma_semaphore, #tpu.memory_space<semaphore_mem>>) src(%dma_wait3A_567 : memref<64x64xf32, #tpu.memory_space<vmem>>) dst(%dma_wait3A_563 : memref<64x64xf32, #tpu.memory_space<hbm>>)
          %dma_wait3A_568 = arith.constant 3 : i32
          %dma_wait3A_569 = arith.constant 1 : i32
          %dma_wait3A_570 = arith.constant 0 : i32
          %dma_wait3A_571 = arith.constant 0 : i32
          %dma_wait3A_572 = tpu.memref_slice %arg10[%dma_wait3A_568, %dma_wait3A_569, %dma_wait3A_570, %dma_wait3A_571] : memref<4x2x64x64xf32, #tpu.memory_space<vmem>> -> memref<1x1x64x64xf32, #tpu.memory_space<vmem>>
          %dma_wait3A_573 = tpu.memref_squeeze %dma_wait3A_572 : memref<1x1x64x64xf32, #tpu.memory_space<vmem>> -> memref<64x64xf32, #tpu.memory_space<vmem>>
          %dma_wait3A_574 = arith.constant 64 : i32
          %dma_wait3A_575 = tpu.memref_slice %arg6[%select_n3A_535, %select_n3A_551, %dma_wait3A_574] : memref<15x4096x128xf32, #tpu.memory_space<hbm>> -> memref<1x64x64xf32, #tpu.memory_space<hbm>>
          %dma_wait3A_576 = tpu.memref_squeeze %dma_wait3A_575 : memref<1x64x64xf32, #tpu.memory_space<hbm>> -> memref<64x64xf32, #tpu.memory_space<hbm>>
          %dma_wait3A_577 = arith.constant 64 : i32
          %dma_wait3A_578 = tpu.memref_slice %arg6[%select_n3A_535, %select_n3A_551, %dma_wait3A_577] : memref<15x4096x128xf32, #tpu.memory_space<hbm>> -> memref<1x64x64xf32, #tpu.memory_space<hbm>>
          %dma_wait3A_579 = tpu.memref_squeeze %dma_wait3A_578 : memref<1x64x64xf32, #tpu.memory_space<hbm>> -> memref<64x64xf32, #tpu.memory_space<hbm>>
          %dma_wait3A_580 = arith.constant 0 : i32
          %dma_wait3A_581 = arith.constant 0 : i32
          %dma_wait3A_582 = tpu.memref_slice %arg10[%dma_wait3A_568, %dma_wait3A_569, %dma_wait3A_580, %dma_wait3A_581] : memref<4x2x64x64xf32, #tpu.memory_space<vmem>> -> memref<1x1x64x64xf32, #tpu.memory_space<vmem>>
          %dma_wait3A_583 = tpu.memref_squeeze %dma_wait3A_582 : memref<1x1x64x64xf32, #tpu.memory_space<vmem>> -> memref<64x64xf32, #tpu.memory_space<vmem>>
          tpu.wait_dma2 semaphore(%arg20 : memref<!tpu.dma_semaphore, #tpu.memory_space<semaphore_mem>>) src(%dma_wait3A_583 : memref<64x64xf32, #tpu.memory_space<vmem>>) dst(%dma_wait3A_579 : memref<64x64xf32, #tpu.memory_space<hbm>>)
        } else {
        }
        %dma_start3A_483 = arith.constant 3 : i32
        %dma_start3A_484 = arith.constant 0 : i32
        %dma_start3A_485 = arith.constant 0 : i32
        %dma_start3A_486 = arith.constant 0 : i32
        %dma_start3A_487 = tpu.memref_slice %arg10[%dma_start3A_483, %dma_start3A_484, %dma_start3A_485, %dma_start3A_486] : memref<4x2x64x64xf32, #tpu.memory_space<vmem>> -> memref<1x1x64x64xf32, #tpu.memory_space<vmem>>
        %dma_start3A_488 = tpu.memref_squeeze %dma_start3A_487 : memref<1x1x64x64xf32, #tpu.memory_space<vmem>> -> memref<64x64xf32, #tpu.memory_space<vmem>>
        %dma_start3A_489 = arith.constant 0 : i32
        %dma_start3A_490 = tpu.memref_slice %arg8[%sub3A_419, %dma_start3A_489] : memref<32x128xi32, #tpu.memory_space<vmem>> -> memref<1x64xi32, #tpu.memory_space<vmem>>
        %dma_start3A_491 = tpu.memref_squeeze %dma_start3A_490 : memref<1x64xi32, #tpu.memory_space<vmem>> -> memref<64xi32, #tpu.memory_space<vmem>>
        %dma_start3A_492 = arith.constant 0 : i32
        %dma_start3A_493 = arith.constant 0 : i32
        %dma_start3A_494 = tpu.memref_slice %arg4[%dma_start3A_492, %dma_start3A_493] : memref<30000x64xf32, #tpu.memory_space<hbm>> -> memref<30000x64xf32, #tpu.memory_space<hbm>>
        tpu.enqueue_indirect_dma source(%dma_start3A_494 : memref<30000x64xf32, #tpu.memory_space<hbm>>) target(%dma_start3A_488 : memref<64x64xf32, #tpu.memory_space<vmem>>) offsets(%dma_start3A_491 : memref<64xi32, #tpu.memory_space<vmem>>) semaphore(%arg16 : memref<!tpu.dma_semaphore, #tpu.memory_space<semaphore_mem>>)
        %dma_start3A_495 = arith.constant 3 : i32
        %dma_start3A_496 = arith.constant 1 : i32
        %dma_start3A_497 = arith.constant 0 : i32
        %dma_start3A_498 = arith.constant 0 : i32
        %dma_start3A_499 = tpu.memref_slice %arg10[%dma_start3A_495, %dma_start3A_496, %dma_start3A_497, %dma_start3A_498] : memref<4x2x64x64xf32, #tpu.memory_space<vmem>> -> memref<1x1x64x64xf32, #tpu.memory_space<vmem>>
        %dma_start3A_500 = tpu.memref_squeeze %dma_start3A_499 : memref<1x1x64x64xf32, #tpu.memory_space<vmem>> -> memref<64x64xf32, #tpu.memory_space<vmem>>
        %dma_start3A_501 = arith.constant 64 : i32
        %dma_start3A_502 = tpu.memref_slice %arg8[%sub3A_419, %dma_start3A_501] : memref<32x128xi32, #tpu.memory_space<vmem>> -> memref<1x64xi32, #tpu.memory_space<vmem>>
        %dma_start3A_503 = tpu.memref_squeeze %dma_start3A_502 : memref<1x64xi32, #tpu.memory_space<vmem>> -> memref<64xi32, #tpu.memory_space<vmem>>
        %dma_start3A_504 = arith.constant 0 : i32
        %dma_start3A_505 = arith.constant 0 : i32
        %dma_start3A_506 = tpu.memref_slice %arg4[%dma_start3A_504, %dma_start3A_505] : memref<30000x64xf32, #tpu.memory_space<hbm>> -> memref<30000x64xf32, #tpu.memory_space<hbm>>
        tpu.enqueue_indirect_dma source(%dma_start3A_506 : memref<30000x64xf32, #tpu.memory_space<hbm>>) target(%dma_start3A_500 : memref<64x64xf32, #tpu.memory_space<vmem>>) offsets(%dma_start3A_503 : memref<64xi32, #tpu.memory_space<vmem>>) semaphore(%arg16 : memref<!tpu.dma_semaphore, #tpu.memory_space<semaphore_mem>>)
      } else {
      }
      %mul3A_425 = arith.constant 4 : i32
      %mul3A_426 = arith.muli %mul3A_425, %scan3A_408 : i32
      %add3A_427 = arith.constant 1 : i32
      %add3A_428 = arith.addi %mul3A_426, %add3A_427 : i32
      %lt3A_429 = arith.constant 30 : i32
      %lt3A_430 = arith.cmpi slt, %add3A_428, %lt3A_429 : i32
      %convert_element_type3A_431 = arith.extui %lt3A_430 : i1 to i32
      %cond3A_432 = arith.constant 0 : i32
      %cond3A_433 = arith.cmpi ne, %convert_element_type3A_431, %cond3A_432 : i32
      scf.if %cond3A_433 {
        %dma_wait3A_479 = arith.constant 1 : i32
        %dma_wait3A_480 = arith.constant 0 : i32
        %dma_wait3A_481 = arith.constant 0 : i32
        %dma_wait3A_482 = arith.constant 0 : i32
        %dma_wait3A_483 = tpu.memref_slice %arg10[%dma_wait3A_479, %dma_wait3A_480, %dma_wait3A_481, %dma_wait3A_482] : memref<4x2x64x64xf32, #tpu.memory_space<vmem>> -> memref<1x1x64x64xf32, #tpu.memory_space<vmem>>
        %dma_wait3A_484 = tpu.memref_squeeze %dma_wait3A_483 : memref<1x1x64x64xf32, #tpu.memory_space<vmem>> -> memref<64x64xf32, #tpu.memory_space<vmem>>
        %dma_wait3A_485 = arith.constant 0 : i32
        %dma_wait3A_486 = tpu.memref_slice %arg8[%add3A_428, %dma_wait3A_485] : memref<32x128xi32, #tpu.memory_space<vmem>> -> memref<1x64xi32, #tpu.memory_space<vmem>>
        %dma_wait3A_487 = tpu.memref_squeeze %dma_wait3A_486 : memref<1x64xi32, #tpu.memory_space<vmem>> -> memref<64xi32, #tpu.memory_space<vmem>>
        %dma_wait3A_488 = arith.constant 0 : i32
        %dma_wait3A_489 = arith.constant 0 : i32
        %dma_wait3A_490 = tpu.memref_slice %arg4[%dma_wait3A_488, %dma_wait3A_489] : memref<30000x64xf32, #tpu.memory_space<hbm>> -> memref<30000x64xf32, #tpu.memory_space<hbm>>
        tpu.wait_indirect_dma semaphore(%arg14 : memref<!tpu.dma_semaphore, #tpu.memory_space<semaphore_mem>>) src(%dma_wait3A_490 : memref<30000x64xf32, #tpu.memory_space<hbm>>) dst(%dma_wait3A_484 : memref<64x64xf32, #tpu.memory_space<vmem>>)
        %dma_wait3A_491 = arith.constant 1 : i32
        %dma_wait3A_492 = arith.constant 1 : i32
        %dma_wait3A_493 = arith.constant 0 : i32
        %dma_wait3A_494 = arith.constant 0 : i32
        %dma_wait3A_495 = tpu.memref_slice %arg10[%dma_wait3A_491, %dma_wait3A_492, %dma_wait3A_493, %dma_wait3A_494] : memref<4x2x64x64xf32, #tpu.memory_space<vmem>> -> memref<1x1x64x64xf32, #tpu.memory_space<vmem>>
        %dma_wait3A_496 = tpu.memref_squeeze %dma_wait3A_495 : memref<1x1x64x64xf32, #tpu.memory_space<vmem>> -> memref<64x64xf32, #tpu.memory_space<vmem>>
        %dma_wait3A_497 = arith.constant 64 : i32
        %dma_wait3A_498 = tpu.memref_slice %arg8[%add3A_428, %dma_wait3A_497] : memref<32x128xi32, #tpu.memory_space<vmem>> -> memref<1x64xi32, #tpu.memory_space<vmem>>
        %dma_wait3A_499 = tpu.memref_squeeze %dma_wait3A_498 : memref<1x64xi32, #tpu.memory_space<vmem>> -> memref<64xi32, #tpu.memory_space<vmem>>
        %dma_wait3A_500 = arith.constant 0 : i32
        %dma_wait3A_501 = arith.constant 0 : i32
        %dma_wait3A_502 = tpu.memref_slice %arg4[%dma_wait3A_500, %dma_wait3A_501] : memref<30000x64xf32, #tpu.memory_space<hbm>> -> memref<30000x64xf32, #tpu.memory_space<hbm>>
        tpu.wait_indirect_dma semaphore(%arg14 : memref<!tpu.dma_semaphore, #tpu.memory_space<semaphore_mem>>) src(%dma_wait3A_502 : memref<30000x64xf32, #tpu.memory_space<hbm>>) dst(%dma_wait3A_496 : memref<64x64xf32, #tpu.memory_space<vmem>>)
        %mul3A_503 = arith.constant 64 : i32
        %mul3A_504 = arith.muli %add3A_428, %mul3A_503 : i32
        %add3A_505 = arith.addi %mul3A_2, %mul3A_504 : i32
        %jit3A_506 = arith.constant 4096 : i32
        %div3A_507 = arith.divsi %add3A_505, %jit3A_506 : i32
        %sign3A_508 = arith.constant 0 : i32
        %sign3A_509 = arith.cmpi sgt, %add3A_505, %sign3A_508 : i32
        %sign3A_510 = arith.extui %sign3A_509 : i1 to i32
        %sign3A_511 = arith.constant 0 : i32
        %sign3A_512 = arith.cmpi slt, %add3A_505, %sign3A_511 : i32
        %sign3A_513 = arith.extui %sign3A_512 : i1 to i32
        %sign3A_514 = arith.subi %sign3A_510, %sign3A_513 : i32
        %sign3A_515 = arith.constant 0 : i32
        %sign3A_516 = arith.cmpi sgt, %jit3A_506, %sign3A_515 : i32
        %sign3A_517 = arith.extui %sign3A_516 : i1 to i32
        %sign3A_518 = arith.constant 0 : i32
        %sign3A_519 = arith.cmpi slt, %jit3A_506, %sign3A_518 : i32
        %sign3A_520 = arith.extui %sign3A_519 : i1 to i32
        %sign3A_521 = arith.subi %sign3A_517, %sign3A_520 : i32
        %ne3A_522 = arith.cmpi ne, %sign3A_514, %sign3A_521 : i32
        %rem3A_523 = arith.remsi %add3A_505, %jit3A_506 : i32
        %ne3A_524 = arith.constant 0 : i32
        %ne3A_525 = arith.cmpi ne, %rem3A_523, %ne3A_524 : i32
        %and3A_526 = arith.andi %ne3A_522, %ne3A_525 : i1
        %sub3A_527 = arith.constant 1 : i32
        %sub3A_528 = arith.subi %div3A_507, %sub3A_527 : i32
        %select_n3A_529 = arith.select %and3A_526, %sub3A_528, %div3A_507 : i32
        %jit3A_530 = arith.constant 4096 : i32
        %eq3A_531 = arith.constant 0 : i32
        %eq3A_532 = arith.cmpi eq, %jit3A_530, %eq3A_531 : i32
        %jit3A_533 = arith.constant 1 : i32
        %select_n3A_534 = arith.select %eq3A_532, %jit3A_533, %jit3A_530 : i32
        %rem3A_535 = arith.remsi %add3A_505, %select_n3A_534 : i32
        %ne3A_536 = arith.constant 0 : i32
        %ne3A_537 = arith.cmpi ne, %rem3A_535, %ne3A_536 : i32
        %lt3A_538 = arith.constant 0 : i32
        %lt3A_539 = arith.cmpi slt, %rem3A_535, %lt3A_538 : i32
        %lt3A_540 = arith.constant 0 : i32
        %lt3A_541 = arith.cmpi slt, %select_n3A_534, %lt3A_540 : i32
        %ne3A_542 = arith.xori %lt3A_539, %lt3A_541 : i1
        %and3A_543 = arith.andi %ne3A_542, %ne3A_537 : i1
        %add3A_544 = arith.addi %rem3A_535, %select_n3A_534 : i32
        %select_n3A_545 = arith.select %and3A_543, %add3A_544, %rem3A_535 : i32
        %dma_start3A_546 = arith.constant 1 : i32
        %dma_start3A_547 = arith.constant 0 : i32
        %dma_start3A_548 = arith.constant 0 : i32
        %dma_start3A_549 = arith.constant 0 : i32
        %dma_start3A_550 = tpu.memref_slice %arg10[%dma_start3A_546, %dma_start3A_547, %dma_start3A_548, %dma_start3A_549] : memref<4x2x64x64xf32, #tpu.memory_space<vmem>> -> memref<1x1x64x64xf32, #tpu.memory_space<vmem>>
        %dma_start3A_551 = tpu.memref_squeeze %dma_start3A_550 : memref<1x1x64x64xf32, #tpu.memory_space<vmem>> -> memref<64x64xf32, #tpu.memory_space<vmem>>
        %dma_start3A_552 = arith.constant 0 : i32
        %dma_start3A_553 = tpu.memref_slice %arg6[%select_n3A_529, %select_n3A_545, %dma_start3A_552] : memref<15x4096x128xf32, #tpu.memory_space<hbm>> -> memref<1x64x64xf32, #tpu.memory_space<hbm>>
        %dma_start3A_554 = tpu.memref_squeeze %dma_start3A_553 : memref<1x64x64xf32, #tpu.memory_space<hbm>> -> memref<64x64xf32, #tpu.memory_space<hbm>>
        %dma_start3A_555 = arith.constant 0 : i32
        %dma_start3A_556 = tpu.memref_slice %arg6[%select_n3A_529, %select_n3A_545, %dma_start3A_555] : memref<15x4096x128xf32, #tpu.memory_space<hbm>> -> memref<1x64x64xf32, #tpu.memory_space<hbm>>
        %dma_start3A_557 = tpu.memref_squeeze %dma_start3A_556 : memref<1x64x64xf32, #tpu.memory_space<hbm>> -> memref<64x64xf32, #tpu.memory_space<hbm>>
        %dma_start3A_558 = arith.constant 0 : i32
        %dma_start3A_559 = arith.constant 0 : i32
        %dma_start3A_560 = tpu.memref_slice %arg10[%dma_start3A_546, %dma_start3A_547, %dma_start3A_558, %dma_start3A_559] : memref<4x2x64x64xf32, #tpu.memory_space<vmem>> -> memref<1x1x64x64xf32, #tpu.memory_space<vmem>>
        %dma_start3A_561 = tpu.memref_squeeze %dma_start3A_560 : memref<1x1x64x64xf32, #tpu.memory_space<vmem>> -> memref<64x64xf32, #tpu.memory_space<vmem>>
        tpu.enqueue_dma source(%dma_start3A_561 : memref<64x64xf32, #tpu.memory_space<vmem>>) target(%dma_start3A_557 : memref<64x64xf32, #tpu.memory_space<hbm>>) target_semaphore(%arg18 : memref<!tpu.dma_semaphore, #tpu.memory_space<semaphore_mem>>)
        %dma_start3A_562 = arith.constant 1 : i32
        %dma_start3A_563 = arith.constant 1 : i32
        %dma_start3A_564 = arith.constant 0 : i32
        %dma_start3A_565 = arith.constant 0 : i32
        %dma_start3A_566 = tpu.memref_slice %arg10[%dma_start3A_562, %dma_start3A_563, %dma_start3A_564, %dma_start3A_565] : memref<4x2x64x64xf32, #tpu.memory_space<vmem>> -> memref<1x1x64x64xf32, #tpu.memory_space<vmem>>
        %dma_start3A_567 = tpu.memref_squeeze %dma_start3A_566 : memref<1x1x64x64xf32, #tpu.memory_space<vmem>> -> memref<64x64xf32, #tpu.memory_space<vmem>>
        %dma_start3A_568 = arith.constant 64 : i32
        %dma_start3A_569 = tpu.memref_slice %arg6[%select_n3A_529, %select_n3A_545, %dma_start3A_568] : memref<15x4096x128xf32, #tpu.memory_space<hbm>> -> memref<1x64x64xf32, #tpu.memory_space<hbm>>
        %dma_start3A_570 = tpu.memref_squeeze %dma_start3A_569 : memref<1x64x64xf32, #tpu.memory_space<hbm>> -> memref<64x64xf32, #tpu.memory_space<hbm>>
        %dma_start3A_571 = arith.constant 64 : i32
        %dma_start3A_572 = tpu.memref_slice %arg6[%select_n3A_529, %select_n3A_545, %dma_start3A_571] : memref<15x4096x128xf32, #tpu.memory_space<hbm>> -> memref<1x64x64xf32, #tpu.memory_space<hbm>>
        %dma_start3A_573 = tpu.memref_squeeze %dma_start3A_572 : memref<1x64x64xf32, #tpu.memory_space<hbm>> -> memref<64x64xf32, #tpu.memory_space<hbm>>
        %dma_start3A_574 = arith.constant 0 : i32
        %dma_start3A_575 = arith.constant 0 : i32
        %dma_start3A_576 = tpu.memref_slice %arg10[%dma_start3A_562, %dma_start3A_563, %dma_start3A_574, %dma_start3A_575] : memref<4x2x64x64xf32, #tpu.memory_space<vmem>> -> memref<1x1x64x64xf32, #tpu.memory_space<vmem>>
        %dma_start3A_577 = tpu.memref_squeeze %dma_start3A_576 : memref<1x1x64x64xf32, #tpu.memory_space<vmem>> -> memref<64x64xf32, #tpu.memory_space<vmem>>
        tpu.enqueue_dma source(%dma_start3A_577 : memref<64x64xf32, #tpu.memory_space<vmem>>) target(%dma_start3A_573 : memref<64x64xf32, #tpu.memory_space<hbm>>) target_semaphore(%arg18 : memref<!tpu.dma_semaphore, #tpu.memory_space<semaphore_mem>>)
      } else {
      }
      %add3A_434 = arith.constant 4 : i32
      %add3A_435 = arith.addi %add3A_428, %add3A_434 : i32
      %sub3A_436 = arith.constant 1 : i32
      %sub3A_437 = arith.subi %add3A_435, %sub3A_436 : i32
      %lt3A_438 = arith.constant 30 : i32
      %lt3A_439 = arith.cmpi slt, %sub3A_437, %lt3A_438 : i32
      %convert_element_type3A_440 = arith.extui %lt3A_439 : i1 to i32
      %cond3A_441 = arith.constant 0 : i32
      %cond3A_442 = arith.cmpi ne, %convert_element_type3A_440, %cond3A_441 : i32
      scf.if %cond3A_442 {
        %ge3A = arith.constant 4 : i32
        %ge3A_479 = arith.cmpi sge, %sub3A_437, %ge3A : i32
        %convert_element_type3A_480 = arith.extui %ge3A_479 : i1 to i32
        %cond3A_481 = arith.constant 0 : i32
        %cond3A_482 = arith.cmpi ne, %convert_element_type3A_480, %cond3A_481 : i32
        scf.if %cond3A_482 {
          %sub3A_507 = arith.constant 4 : i32
          %sub3A_508 = arith.subi %sub3A_437, %sub3A_507 : i32
          %mul3A_509 = arith.constant 64 : i32
          %mul3A_510 = arith.muli %sub3A_508, %mul3A_509 : i32
          %add3A_511 = arith.addi %mul3A_2, %mul3A_510 : i32
          %jit3A_512 = arith.constant 4096 : i32
          %div3A_513 = arith.divsi %add3A_511, %jit3A_512 : i32
          %sign3A_514 = arith.constant 0 : i32
          %sign3A_515 = arith.cmpi sgt, %add3A_511, %sign3A_514 : i32
          %sign3A_516 = arith.extui %sign3A_515 : i1 to i32
          %sign3A_517 = arith.constant 0 : i32
          %sign3A_518 = arith.cmpi slt, %add3A_511, %sign3A_517 : i32
          %sign3A_519 = arith.extui %sign3A_518 : i1 to i32
          %sign3A_520 = arith.subi %sign3A_516, %sign3A_519 : i32
          %sign3A_521 = arith.constant 0 : i32
          %sign3A_522 = arith.cmpi sgt, %jit3A_512, %sign3A_521 : i32
          %sign3A_523 = arith.extui %sign3A_522 : i1 to i32
          %sign3A_524 = arith.constant 0 : i32
          %sign3A_525 = arith.cmpi slt, %jit3A_512, %sign3A_524 : i32
          %sign3A_526 = arith.extui %sign3A_525 : i1 to i32
          %sign3A_527 = arith.subi %sign3A_523, %sign3A_526 : i32
          %ne3A_528 = arith.cmpi ne, %sign3A_520, %sign3A_527 : i32
          %rem3A_529 = arith.remsi %add3A_511, %jit3A_512 : i32
          %ne3A_530 = arith.constant 0 : i32
          %ne3A_531 = arith.cmpi ne, %rem3A_529, %ne3A_530 : i32
          %and3A_532 = arith.andi %ne3A_528, %ne3A_531 : i1
          %sub3A_533 = arith.constant 1 : i32
          %sub3A_534 = arith.subi %div3A_513, %sub3A_533 : i32
          %select_n3A_535 = arith.select %and3A_532, %sub3A_534, %div3A_513 : i32
          %jit3A_536 = arith.constant 4096 : i32
          %eq3A_537 = arith.constant 0 : i32
          %eq3A_538 = arith.cmpi eq, %jit3A_536, %eq3A_537 : i32
          %jit3A_539 = arith.constant 1 : i32
          %select_n3A_540 = arith.select %eq3A_538, %jit3A_539, %jit3A_536 : i32
          %rem3A_541 = arith.remsi %add3A_511, %select_n3A_540 : i32
          %ne3A_542 = arith.constant 0 : i32
          %ne3A_543 = arith.cmpi ne, %rem3A_541, %ne3A_542 : i32
          %lt3A_544 = arith.constant 0 : i32
          %lt3A_545 = arith.cmpi slt, %rem3A_541, %lt3A_544 : i32
          %lt3A_546 = arith.constant 0 : i32
          %lt3A_547 = arith.cmpi slt, %select_n3A_540, %lt3A_546 : i32
          %ne3A_548 = arith.xori %lt3A_545, %lt3A_547 : i1
          %and3A_549 = arith.andi %ne3A_548, %ne3A_543 : i1
          %add3A_550 = arith.addi %rem3A_541, %select_n3A_540 : i32
          %select_n3A_551 = arith.select %and3A_549, %add3A_550, %rem3A_541 : i32
          %dma_wait3A_552 = arith.constant 0 : i32
          %dma_wait3A_553 = arith.constant 0 : i32
          %dma_wait3A_554 = arith.constant 0 : i32
          %dma_wait3A_555 = arith.constant 0 : i32
          %dma_wait3A_556 = tpu.memref_slice %arg10[%dma_wait3A_552, %dma_wait3A_553, %dma_wait3A_554, %dma_wait3A_555] : memref<4x2x64x64xf32, #tpu.memory_space<vmem>> -> memref<1x1x64x64xf32, #tpu.memory_space<vmem>>
          %dma_wait3A_557 = tpu.memref_squeeze %dma_wait3A_556 : memref<1x1x64x64xf32, #tpu.memory_space<vmem>> -> memref<64x64xf32, #tpu.memory_space<vmem>>
          %dma_wait3A_558 = arith.constant 0 : i32
          %dma_wait3A_559 = tpu.memref_slice %arg6[%select_n3A_535, %select_n3A_551, %dma_wait3A_558] : memref<15x4096x128xf32, #tpu.memory_space<hbm>> -> memref<1x64x64xf32, #tpu.memory_space<hbm>>
          %dma_wait3A_560 = tpu.memref_squeeze %dma_wait3A_559 : memref<1x64x64xf32, #tpu.memory_space<hbm>> -> memref<64x64xf32, #tpu.memory_space<hbm>>
          %dma_wait3A_561 = arith.constant 0 : i32
          %dma_wait3A_562 = tpu.memref_slice %arg6[%select_n3A_535, %select_n3A_551, %dma_wait3A_561] : memref<15x4096x128xf32, #tpu.memory_space<hbm>> -> memref<1x64x64xf32, #tpu.memory_space<hbm>>
          %dma_wait3A_563 = tpu.memref_squeeze %dma_wait3A_562 : memref<1x64x64xf32, #tpu.memory_space<hbm>> -> memref<64x64xf32, #tpu.memory_space<hbm>>
          %dma_wait3A_564 = arith.constant 0 : i32
          %dma_wait3A_565 = arith.constant 0 : i32
          %dma_wait3A_566 = tpu.memref_slice %arg10[%dma_wait3A_552, %dma_wait3A_553, %dma_wait3A_564, %dma_wait3A_565] : memref<4x2x64x64xf32, #tpu.memory_space<vmem>> -> memref<1x1x64x64xf32, #tpu.memory_space<vmem>>
          %dma_wait3A_567 = tpu.memref_squeeze %dma_wait3A_566 : memref<1x1x64x64xf32, #tpu.memory_space<vmem>> -> memref<64x64xf32, #tpu.memory_space<vmem>>
          tpu.wait_dma2 semaphore(%arg17 : memref<!tpu.dma_semaphore, #tpu.memory_space<semaphore_mem>>) src(%dma_wait3A_567 : memref<64x64xf32, #tpu.memory_space<vmem>>) dst(%dma_wait3A_563 : memref<64x64xf32, #tpu.memory_space<hbm>>)
          %dma_wait3A_568 = arith.constant 0 : i32
          %dma_wait3A_569 = arith.constant 1 : i32
          %dma_wait3A_570 = arith.constant 0 : i32
          %dma_wait3A_571 = arith.constant 0 : i32
          %dma_wait3A_572 = tpu.memref_slice %arg10[%dma_wait3A_568, %dma_wait3A_569, %dma_wait3A_570, %dma_wait3A_571] : memref<4x2x64x64xf32, #tpu.memory_space<vmem>> -> memref<1x1x64x64xf32, #tpu.memory_space<vmem>>
          %dma_wait3A_573 = tpu.memref_squeeze %dma_wait3A_572 : memref<1x1x64x64xf32, #tpu.memory_space<vmem>> -> memref<64x64xf32, #tpu.memory_space<vmem>>
          %dma_wait3A_574 = arith.constant 64 : i32
          %dma_wait3A_575 = tpu.memref_slice %arg6[%select_n3A_535, %select_n3A_551, %dma_wait3A_574] : memref<15x4096x128xf32, #tpu.memory_space<hbm>> -> memref<1x64x64xf32, #tpu.memory_space<hbm>>
          %dma_wait3A_576 = tpu.memref_squeeze %dma_wait3A_575 : memref<1x64x64xf32, #tpu.memory_space<hbm>> -> memref<64x64xf32, #tpu.memory_space<hbm>>
          %dma_wait3A_577 = arith.constant 64 : i32
          %dma_wait3A_578 = tpu.memref_slice %arg6[%select_n3A_535, %select_n3A_551, %dma_wait3A_577] : memref<15x4096x128xf32, #tpu.memory_space<hbm>> -> memref<1x64x64xf32, #tpu.memory_space<hbm>>
          %dma_wait3A_579 = tpu.memref_squeeze %dma_wait3A_578 : memref<1x64x64xf32, #tpu.memory_space<hbm>> -> memref<64x64xf32, #tpu.memory_space<hbm>>
          %dma_wait3A_580 = arith.constant 0 : i32
          %dma_wait3A_581 = arith.constant 0 : i32
          %dma_wait3A_582 = tpu.memref_slice %arg10[%dma_wait3A_568, %dma_wait3A_569, %dma_wait3A_580, %dma_wait3A_581] : memref<4x2x64x64xf32, #tpu.memory_space<vmem>> -> memref<1x1x64x64xf32, #tpu.memory_space<vmem>>
          %dma_wait3A_583 = tpu.memref_squeeze %dma_wait3A_582 : memref<1x1x64x64xf32, #tpu.memory_space<vmem>> -> memref<64x64xf32, #tpu.memory_space<vmem>>
          tpu.wait_dma2 semaphore(%arg17 : memref<!tpu.dma_semaphore, #tpu.memory_space<semaphore_mem>>) src(%dma_wait3A_583 : memref<64x64xf32, #tpu.memory_space<vmem>>) dst(%dma_wait3A_579 : memref<64x64xf32, #tpu.memory_space<hbm>>)
        } else {
        }
        %dma_start3A_483 = arith.constant 0 : i32
        %dma_start3A_484 = arith.constant 0 : i32
        %dma_start3A_485 = arith.constant 0 : i32
        %dma_start3A_486 = arith.constant 0 : i32
        %dma_start3A_487 = tpu.memref_slice %arg10[%dma_start3A_483, %dma_start3A_484, %dma_start3A_485, %dma_start3A_486] : memref<4x2x64x64xf32, #tpu.memory_space<vmem>> -> memref<1x1x64x64xf32, #tpu.memory_space<vmem>>
        %dma_start3A_488 = tpu.memref_squeeze %dma_start3A_487 : memref<1x1x64x64xf32, #tpu.memory_space<vmem>> -> memref<64x64xf32, #tpu.memory_space<vmem>>
        %dma_start3A_489 = arith.constant 0 : i32
        %dma_start3A_490 = tpu.memref_slice %arg8[%sub3A_437, %dma_start3A_489] : memref<32x128xi32, #tpu.memory_space<vmem>> -> memref<1x64xi32, #tpu.memory_space<vmem>>
        %dma_start3A_491 = tpu.memref_squeeze %dma_start3A_490 : memref<1x64xi32, #tpu.memory_space<vmem>> -> memref<64xi32, #tpu.memory_space<vmem>>
        %dma_start3A_492 = arith.constant 0 : i32
        %dma_start3A_493 = arith.constant 0 : i32
        %dma_start3A_494 = tpu.memref_slice %arg4[%dma_start3A_492, %dma_start3A_493] : memref<30000x64xf32, #tpu.memory_space<hbm>> -> memref<30000x64xf32, #tpu.memory_space<hbm>>
        tpu.enqueue_indirect_dma source(%dma_start3A_494 : memref<30000x64xf32, #tpu.memory_space<hbm>>) target(%dma_start3A_488 : memref<64x64xf32, #tpu.memory_space<vmem>>) offsets(%dma_start3A_491 : memref<64xi32, #tpu.memory_space<vmem>>) semaphore(%arg13 : memref<!tpu.dma_semaphore, #tpu.memory_space<semaphore_mem>>)
        %dma_start3A_495 = arith.constant 0 : i32
        %dma_start3A_496 = arith.constant 1 : i32
        %dma_start3A_497 = arith.constant 0 : i32
        %dma_start3A_498 = arith.constant 0 : i32
        %dma_start3A_499 = tpu.memref_slice %arg10[%dma_start3A_495, %dma_start3A_496, %dma_start3A_497, %dma_start3A_498] : memref<4x2x64x64xf32, #tpu.memory_space<vmem>> -> memref<1x1x64x64xf32, #tpu.memory_space<vmem>>
        %dma_start3A_500 = tpu.memref_squeeze %dma_start3A_499 : memref<1x1x64x64xf32, #tpu.memory_space<vmem>> -> memref<64x64xf32, #tpu.memory_space<vmem>>
        %dma_start3A_501 = arith.constant 64 : i32
        %dma_start3A_502 = tpu.memref_slice %arg8[%sub3A_437, %dma_start3A_501] : memref<32x128xi32, #tpu.memory_space<vmem>> -> memref<1x64xi32, #tpu.memory_space<vmem>>
        %dma_start3A_503 = tpu.memref_squeeze %dma_start3A_502 : memref<1x64xi32, #tpu.memory_space<vmem>> -> memref<64xi32, #tpu.memory_space<vmem>>
        %dma_start3A_504 = arith.constant 0 : i32
        %dma_start3A_505 = arith.constant 0 : i32
        %dma_start3A_506 = tpu.memref_slice %arg4[%dma_start3A_504, %dma_start3A_505] : memref<30000x64xf32, #tpu.memory_space<hbm>> -> memref<30000x64xf32, #tpu.memory_space<hbm>>
        tpu.enqueue_indirect_dma source(%dma_start3A_506 : memref<30000x64xf32, #tpu.memory_space<hbm>>) target(%dma_start3A_500 : memref<64x64xf32, #tpu.memory_space<vmem>>) offsets(%dma_start3A_503 : memref<64xi32, #tpu.memory_space<vmem>>) semaphore(%arg13 : memref<!tpu.dma_semaphore, #tpu.memory_space<semaphore_mem>>)
      } else {
      }
      %mul3A_443 = arith.constant 4 : i32
      %mul3A_444 = arith.muli %mul3A_443, %scan3A_408 : i32
      %add3A_445 = arith.constant 2 : i32
      %add3A_446 = arith.addi %mul3A_444, %add3A_445 : i32
      %lt3A_447 = arith.constant 30 : i32
      %lt3A_448 = arith.cmpi slt, %add3A_446, %lt3A_447 : i32
      %convert_element_type3A_449 = arith.extui %lt3A_448 : i1 to i32
      %cond3A_450 = arith.constant 0 : i32
      %cond3A_451 = arith.cmpi ne, %convert_element_type3A_449, %cond3A_450 : i32
      scf.if %cond3A_451 {
        %dma_wait3A_479 = arith.constant 2 : i32
        %dma_wait3A_480 = arith.constant 0 : i32
        %dma_wait3A_481 = arith.constant 0 : i32
        %dma_wait3A_482 = arith.constant 0 : i32
        %dma_wait3A_483 = tpu.memref_slice %arg10[%dma_wait3A_479, %dma_wait3A_480, %dma_wait3A_481, %dma_wait3A_482] : memref<4x2x64x64xf32, #tpu.memory_space<vmem>> -> memref<1x1x64x64xf32, #tpu.memory_space<vmem>>
        %dma_wait3A_484 = tpu.memref_squeeze %dma_wait3A_483 : memref<1x1x64x64xf32, #tpu.memory_space<vmem>> -> memref<64x64xf32, #tpu.memory_space<vmem>>
        %dma_wait3A_485 = arith.constant 0 : i32
        %dma_wait3A_486 = tpu.memref_slice %arg8[%add3A_446, %dma_wait3A_485] : memref<32x128xi32, #tpu.memory_space<vmem>> -> memref<1x64xi32, #tpu.memory_space<vmem>>
        %dma_wait3A_487 = tpu.memref_squeeze %dma_wait3A_486 : memref<1x64xi32, #tpu.memory_space<vmem>> -> memref<64xi32, #tpu.memory_space<vmem>>
        %dma_wait3A_488 = arith.constant 0 : i32
        %dma_wait3A_489 = arith.constant 0 : i32
        %dma_wait3A_490 = tpu.memref_slice %arg4[%dma_wait3A_488, %dma_wait3A_489] : memref<30000x64xf32, #tpu.memory_space<hbm>> -> memref<30000x64xf32, #tpu.memory_space<hbm>>
        tpu.wait_indirect_dma semaphore(%arg15 : memref<!tpu.dma_semaphore, #tpu.memory_space<semaphore_mem>>) src(%dma_wait3A_490 : memref<30000x64xf32, #tpu.memory_space<hbm>>) dst(%dma_wait3A_484 : memref<64x64xf32, #tpu.memory_space<vmem>>)
        %dma_wait3A_491 = arith.constant 2 : i32
        %dma_wait3A_492 = arith.constant 1 : i32
        %dma_wait3A_493 = arith.constant 0 : i32
        %dma_wait3A_494 = arith.constant 0 : i32
        %dma_wait3A_495 = tpu.memref_slice %arg10[%dma_wait3A_491, %dma_wait3A_492, %dma_wait3A_493, %dma_wait3A_494] : memref<4x2x64x64xf32, #tpu.memory_space<vmem>> -> memref<1x1x64x64xf32, #tpu.memory_space<vmem>>
        %dma_wait3A_496 = tpu.memref_squeeze %dma_wait3A_495 : memref<1x1x64x64xf32, #tpu.memory_space<vmem>> -> memref<64x64xf32, #tpu.memory_space<vmem>>
        %dma_wait3A_497 = arith.constant 64 : i32
        %dma_wait3A_498 = tpu.memref_slice %arg8[%add3A_446, %dma_wait3A_497] : memref<32x128xi32, #tpu.memory_space<vmem>> -> memref<1x64xi32, #tpu.memory_space<vmem>>
        %dma_wait3A_499 = tpu.memref_squeeze %dma_wait3A_498 : memref<1x64xi32, #tpu.memory_space<vmem>> -> memref<64xi32, #tpu.memory_space<vmem>>
        %dma_wait3A_500 = arith.constant 0 : i32
        %dma_wait3A_501 = arith.constant 0 : i32
        %dma_wait3A_502 = tpu.memref_slice %arg4[%dma_wait3A_500, %dma_wait3A_501] : memref<30000x64xf32, #tpu.memory_space<hbm>> -> memref<30000x64xf32, #tpu.memory_space<hbm>>
        tpu.wait_indirect_dma semaphore(%arg15 : memref<!tpu.dma_semaphore, #tpu.memory_space<semaphore_mem>>) src(%dma_wait3A_502 : memref<30000x64xf32, #tpu.memory_space<hbm>>) dst(%dma_wait3A_496 : memref<64x64xf32, #tpu.memory_space<vmem>>)
        %mul3A_503 = arith.constant 64 : i32
        %mul3A_504 = arith.muli %add3A_446, %mul3A_503 : i32
        %add3A_505 = arith.addi %mul3A_2, %mul3A_504 : i32
        %jit3A_506 = arith.constant 4096 : i32
        %div3A_507 = arith.divsi %add3A_505, %jit3A_506 : i32
        %sign3A_508 = arith.constant 0 : i32
        %sign3A_509 = arith.cmpi sgt, %add3A_505, %sign3A_508 : i32
        %sign3A_510 = arith.extui %sign3A_509 : i1 to i32
        %sign3A_511 = arith.constant 0 : i32
        %sign3A_512 = arith.cmpi slt, %add3A_505, %sign3A_511 : i32
        %sign3A_513 = arith.extui %sign3A_512 : i1 to i32
        %sign3A_514 = arith.subi %sign3A_510, %sign3A_513 : i32
        %sign3A_515 = arith.constant 0 : i32
        %sign3A_516 = arith.cmpi sgt, %jit3A_506, %sign3A_515 : i32
        %sign3A_517 = arith.extui %sign3A_516 : i1 to i32
        %sign3A_518 = arith.constant 0 : i32
        %sign3A_519 = arith.cmpi slt, %jit3A_506, %sign3A_518 : i32
        %sign3A_520 = arith.extui %sign3A_519 : i1 to i32
        %sign3A_521 = arith.subi %sign3A_517, %sign3A_520 : i32
        %ne3A_522 = arith.cmpi ne, %sign3A_514, %sign3A_521 : i32
        %rem3A_523 = arith.remsi %add3A_505, %jit3A_506 : i32
        %ne3A_524 = arith.constant 0 : i32
        %ne3A_525 = arith.cmpi ne, %rem3A_523, %ne3A_524 : i32
        %and3A_526 = arith.andi %ne3A_522, %ne3A_525 : i1
        %sub3A_527 = arith.constant 1 : i32
        %sub3A_528 = arith.subi %div3A_507, %sub3A_527 : i32
        %select_n3A_529 = arith.select %and3A_526, %sub3A_528, %div3A_507 : i32
        %jit3A_530 = arith.constant 4096 : i32
        %eq3A_531 = arith.constant 0 : i32
        %eq3A_532 = arith.cmpi eq, %jit3A_530, %eq3A_531 : i32
        %jit3A_533 = arith.constant 1 : i32
        %select_n3A_534 = arith.select %eq3A_532, %jit3A_533, %jit3A_530 : i32
        %rem3A_535 = arith.remsi %add3A_505, %select_n3A_534 : i32
        %ne3A_536 = arith.constant 0 : i32
        %ne3A_537 = arith.cmpi ne, %rem3A_535, %ne3A_536 : i32
        %lt3A_538 = arith.constant 0 : i32
        %lt3A_539 = arith.cmpi slt, %rem3A_535, %lt3A_538 : i32
        %lt3A_540 = arith.constant 0 : i32
        %lt3A_541 = arith.cmpi slt, %select_n3A_534, %lt3A_540 : i32
        %ne3A_542 = arith.xori %lt3A_539, %lt3A_541 : i1
        %and3A_543 = arith.andi %ne3A_542, %ne3A_537 : i1
        %add3A_544 = arith.addi %rem3A_535, %select_n3A_534 : i32
        %select_n3A_545 = arith.select %and3A_543, %add3A_544, %rem3A_535 : i32
        %dma_start3A_546 = arith.constant 2 : i32
        %dma_start3A_547 = arith.constant 0 : i32
        %dma_start3A_548 = arith.constant 0 : i32
        %dma_start3A_549 = arith.constant 0 : i32
        %dma_start3A_550 = tpu.memref_slice %arg10[%dma_start3A_546, %dma_start3A_547, %dma_start3A_548, %dma_start3A_549] : memref<4x2x64x64xf32, #tpu.memory_space<vmem>> -> memref<1x1x64x64xf32, #tpu.memory_space<vmem>>
        %dma_start3A_551 = tpu.memref_squeeze %dma_start3A_550 : memref<1x1x64x64xf32, #tpu.memory_space<vmem>> -> memref<64x64xf32, #tpu.memory_space<vmem>>
        %dma_start3A_552 = arith.constant 0 : i32
        %dma_start3A_553 = tpu.memref_slice %arg6[%select_n3A_529, %select_n3A_545, %dma_start3A_552] : memref<15x4096x128xf32, #tpu.memory_space<hbm>> -> memref<1x64x64xf32, #tpu.memory_space<hbm>>
        %dma_start3A_554 = tpu.memref_squeeze %dma_start3A_553 : memref<1x64x64xf32, #tpu.memory_space<hbm>> -> memref<64x64xf32, #tpu.memory_space<hbm>>
        %dma_start3A_555 = arith.constant 0 : i32
        %dma_start3A_556 = tpu.memref_slice %arg6[%select_n3A_529, %select_n3A_545, %dma_start3A_555] : memref<15x4096x128xf32, #tpu.memory_space<hbm>> -> memref<1x64x64xf32, #tpu.memory_space<hbm>>
        %dma_start3A_557 = tpu.memref_squeeze %dma_start3A_556 : memref<1x64x64xf32, #tpu.memory_space<hbm>> -> memref<64x64xf32, #tpu.memory_space<hbm>>
        %dma_start3A_558 = arith.constant 0 : i32
        %dma_start3A_559 = arith.constant 0 : i32
        %dma_start3A_560 = tpu.memref_slice %arg10[%dma_start3A_546, %dma_start3A_547, %dma_start3A_558, %dma_start3A_559] : memref<4x2x64x64xf32, #tpu.memory_space<vmem>> -> memref<1x1x64x64xf32, #tpu.memory_space<vmem>>
        %dma_start3A_561 = tpu.memref_squeeze %dma_start3A_560 : memref<1x1x64x64xf32, #tpu.memory_space<vmem>> -> memref<64x64xf32, #tpu.memory_space<vmem>>
        tpu.enqueue_dma source(%dma_start3A_561 : memref<64x64xf32, #tpu.memory_space<vmem>>) target(%dma_start3A_557 : memref<64x64xf32, #tpu.memory_space<hbm>>) target_semaphore(%arg19 : memref<!tpu.dma_semaphore, #tpu.memory_space<semaphore_mem>>)
        %dma_start3A_562 = arith.constant 2 : i32
        %dma_start3A_563 = arith.constant 1 : i32
        %dma_start3A_564 = arith.constant 0 : i32
        %dma_start3A_565 = arith.constant 0 : i32
        %dma_start3A_566 = tpu.memref_slice %arg10[%dma_start3A_562, %dma_start3A_563, %dma_start3A_564, %dma_start3A_565] : memref<4x2x64x64xf32, #tpu.memory_space<vmem>> -> memref<1x1x64x64xf32, #tpu.memory_space<vmem>>
        %dma_start3A_567 = tpu.memref_squeeze %dma_start3A_566 : memref<1x1x64x64xf32, #tpu.memory_space<vmem>> -> memref<64x64xf32, #tpu.memory_space<vmem>>
        %dma_start3A_568 = arith.constant 64 : i32
        %dma_start3A_569 = tpu.memref_slice %arg6[%select_n3A_529, %select_n3A_545, %dma_start3A_568] : memref<15x4096x128xf32, #tpu.memory_space<hbm>> -> memref<1x64x64xf32, #tpu.memory_space<hbm>>
        %dma_start3A_570 = tpu.memref_squeeze %dma_start3A_569 : memref<1x64x64xf32, #tpu.memory_space<hbm>> -> memref<64x64xf32, #tpu.memory_space<hbm>>
        %dma_start3A_571 = arith.constant 64 : i32
        %dma_start3A_572 = tpu.memref_slice %arg6[%select_n3A_529, %select_n3A_545, %dma_start3A_571] : memref<15x4096x128xf32, #tpu.memory_space<hbm>> -> memref<1x64x64xf32, #tpu.memory_space<hbm>>
        %dma_start3A_573 = tpu.memref_squeeze %dma_start3A_572 : memref<1x64x64xf32, #tpu.memory_space<hbm>> -> memref<64x64xf32, #tpu.memory_space<hbm>>
        %dma_start3A_574 = arith.constant 0 : i32
        %dma_start3A_575 = arith.constant 0 : i32
        %dma_start3A_576 = tpu.memref_slice %arg10[%dma_start3A_562, %dma_start3A_563, %dma_start3A_574, %dma_start3A_575] : memref<4x2x64x64xf32, #tpu.memory_space<vmem>> -> memref<1x1x64x64xf32, #tpu.memory_space<vmem>>
        %dma_start3A_577 = tpu.memref_squeeze %dma_start3A_576 : memref<1x1x64x64xf32, #tpu.memory_space<vmem>> -> memref<64x64xf32, #tpu.memory_space<vmem>>
        tpu.enqueue_dma source(%dma_start3A_577 : memref<64x64xf32, #tpu.memory_space<vmem>>) target(%dma_start3A_573 : memref<64x64xf32, #tpu.memory_space<hbm>>) target_semaphore(%arg19 : memref<!tpu.dma_semaphore, #tpu.memory_space<semaphore_mem>>)
      } else {
      }
      %add3A_452 = arith.constant 4 : i32
      %add3A_453 = arith.addi %add3A_446, %add3A_452 : i32
      %sub3A_454 = arith.constant 1 : i32
      %sub3A_455 = arith.subi %add3A_453, %sub3A_454 : i32
      %lt3A_456 = arith.constant 30 : i32
      %lt3A_457 = arith.cmpi slt, %sub3A_455, %lt3A_456 : i32
      %convert_element_type3A_458 = arith.extui %lt3A_457 : i1 to i32
      %cond3A_459 = arith.constant 0 : i32
      %cond3A_460 = arith.cmpi ne, %convert_element_type3A_458, %cond3A_459 : i32
      scf.if %cond3A_460 {
        %ge3A = arith.constant 4 : i32
        %ge3A_479 = arith.cmpi sge, %sub3A_455, %ge3A : i32
        %convert_element_type3A_480 = arith.extui %ge3A_479 : i1 to i32
        %cond3A_481 = arith.constant 0 : i32
        %cond3A_482 = arith.cmpi ne, %convert_element_type3A_480, %cond3A_481 : i32
        scf.if %cond3A_482 {
          %sub3A_507 = arith.constant 4 : i32
          %sub3A_508 = arith.subi %sub3A_455, %sub3A_507 : i32
          %mul3A_509 = arith.constant 64 : i32
          %mul3A_510 = arith.muli %sub3A_508, %mul3A_509 : i32
          %add3A_511 = arith.addi %mul3A_2, %mul3A_510 : i32
          %jit3A_512 = arith.constant 4096 : i32
          %div3A_513 = arith.divsi %add3A_511, %jit3A_512 : i32
          %sign3A_514 = arith.constant 0 : i32
          %sign3A_515 = arith.cmpi sgt, %add3A_511, %sign3A_514 : i32
          %sign3A_516 = arith.extui %sign3A_515 : i1 to i32
          %sign3A_517 = arith.constant 0 : i32
          %sign3A_518 = arith.cmpi slt, %add3A_511, %sign3A_517 : i32
          %sign3A_519 = arith.extui %sign3A_518 : i1 to i32
          %sign3A_520 = arith.subi %sign3A_516, %sign3A_519 : i32
          %sign3A_521 = arith.constant 0 : i32
          %sign3A_522 = arith.cmpi sgt, %jit3A_512, %sign3A_521 : i32
          %sign3A_523 = arith.extui %sign3A_522 : i1 to i32
          %sign3A_524 = arith.constant 0 : i32
          %sign3A_525 = arith.cmpi slt, %jit3A_512, %sign3A_524 : i32
          %sign3A_526 = arith.extui %sign3A_525 : i1 to i32
          %sign3A_527 = arith.subi %sign3A_523, %sign3A_526 : i32
          %ne3A_528 = arith.cmpi ne, %sign3A_520, %sign3A_527 : i32
          %rem3A_529 = arith.remsi %add3A_511, %jit3A_512 : i32
          %ne3A_530 = arith.constant 0 : i32
          %ne3A_531 = arith.cmpi ne, %rem3A_529, %ne3A_530 : i32
          %and3A_532 = arith.andi %ne3A_528, %ne3A_531 : i1
          %sub3A_533 = arith.constant 1 : i32
          %sub3A_534 = arith.subi %div3A_513, %sub3A_533 : i32
          %select_n3A_535 = arith.select %and3A_532, %sub3A_534, %div3A_513 : i32
          %jit3A_536 = arith.constant 4096 : i32
          %eq3A_537 = arith.constant 0 : i32
          %eq3A_538 = arith.cmpi eq, %jit3A_536, %eq3A_537 : i32
          %jit3A_539 = arith.constant 1 : i32
          %select_n3A_540 = arith.select %eq3A_538, %jit3A_539, %jit3A_536 : i32
          %rem3A_541 = arith.remsi %add3A_511, %select_n3A_540 : i32
          %ne3A_542 = arith.constant 0 : i32
          %ne3A_543 = arith.cmpi ne, %rem3A_541, %ne3A_542 : i32
          %lt3A_544 = arith.constant 0 : i32
          %lt3A_545 = arith.cmpi slt, %rem3A_541, %lt3A_544 : i32
          %lt3A_546 = arith.constant 0 : i32
          %lt3A_547 = arith.cmpi slt, %select_n3A_540, %lt3A_546 : i32
          %ne3A_548 = arith.xori %lt3A_545, %lt3A_547 : i1
          %and3A_549 = arith.andi %ne3A_548, %ne3A_543 : i1
          %add3A_550 = arith.addi %rem3A_541, %select_n3A_540 : i32
          %select_n3A_551 = arith.select %and3A_549, %add3A_550, %rem3A_541 : i32
          %dma_wait3A_552 = arith.constant 1 : i32
          %dma_wait3A_553 = arith.constant 0 : i32
          %dma_wait3A_554 = arith.constant 0 : i32
          %dma_wait3A_555 = arith.constant 0 : i32
          %dma_wait3A_556 = tpu.memref_slice %arg10[%dma_wait3A_552, %dma_wait3A_553, %dma_wait3A_554, %dma_wait3A_555] : memref<4x2x64x64xf32, #tpu.memory_space<vmem>> -> memref<1x1x64x64xf32, #tpu.memory_space<vmem>>
          %dma_wait3A_557 = tpu.memref_squeeze %dma_wait3A_556 : memref<1x1x64x64xf32, #tpu.memory_space<vmem>> -> memref<64x64xf32, #tpu.memory_space<vmem>>
          %dma_wait3A_558 = arith.constant 0 : i32
          %dma_wait3A_559 = tpu.memref_slice %arg6[%select_n3A_535, %select_n3A_551, %dma_wait3A_558] : memref<15x4096x128xf32, #tpu.memory_space<hbm>> -> memref<1x64x64xf32, #tpu.memory_space<hbm>>
          %dma_wait3A_560 = tpu.memref_squeeze %dma_wait3A_559 : memref<1x64x64xf32, #tpu.memory_space<hbm>> -> memref<64x64xf32, #tpu.memory_space<hbm>>
          %dma_wait3A_561 = arith.constant 0 : i32
          %dma_wait3A_562 = tpu.memref_slice %arg6[%select_n3A_535, %select_n3A_551, %dma_wait3A_561] : memref<15x4096x128xf32, #tpu.memory_space<hbm>> -> memref<1x64x64xf32, #tpu.memory_space<hbm>>
          %dma_wait3A_563 = tpu.memref_squeeze %dma_wait3A_562 : memref<1x64x64xf32, #tpu.memory_space<hbm>> -> memref<64x64xf32, #tpu.memory_space<hbm>>
          %dma_wait3A_564 = arith.constant 0 : i32
          %dma_wait3A_565 = arith.constant 0 : i32
          %dma_wait3A_566 = tpu.memref_slice %arg10[%dma_wait3A_552, %dma_wait3A_553, %dma_wait3A_564, %dma_wait3A_565] : memref<4x2x64x64xf32, #tpu.memory_space<vmem>> -> memref<1x1x64x64xf32, #tpu.memory_space<vmem>>
          %dma_wait3A_567 = tpu.memref_squeeze %dma_wait3A_566 : memref<1x1x64x64xf32, #tpu.memory_space<vmem>> -> memref<64x64xf32, #tpu.memory_space<vmem>>
          tpu.wait_dma2 semaphore(%arg18 : memref<!tpu.dma_semaphore, #tpu.memory_space<semaphore_mem>>) src(%dma_wait3A_567 : memref<64x64xf32, #tpu.memory_space<vmem>>) dst(%dma_wait3A_563 : memref<64x64xf32, #tpu.memory_space<hbm>>)
          %dma_wait3A_568 = arith.constant 1 : i32
          %dma_wait3A_569 = arith.constant 1 : i32
          %dma_wait3A_570 = arith.constant 0 : i32
          %dma_wait3A_571 = arith.constant 0 : i32
          %dma_wait3A_572 = tpu.memref_slice %arg10[%dma_wait3A_568, %dma_wait3A_569, %dma_wait3A_570, %dma_wait3A_571] : memref<4x2x64x64xf32, #tpu.memory_space<vmem>> -> memref<1x1x64x64xf32, #tpu.memory_space<vmem>>
          %dma_wait3A_573 = tpu.memref_squeeze %dma_wait3A_572 : memref<1x1x64x64xf32, #tpu.memory_space<vmem>> -> memref<64x64xf32, #tpu.memory_space<vmem>>
          %dma_wait3A_574 = arith.constant 64 : i32
          %dma_wait3A_575 = tpu.memref_slice %arg6[%select_n3A_535, %select_n3A_551, %dma_wait3A_574] : memref<15x4096x128xf32, #tpu.memory_space<hbm>> -> memref<1x64x64xf32, #tpu.memory_space<hbm>>
          %dma_wait3A_576 = tpu.memref_squeeze %dma_wait3A_575 : memref<1x64x64xf32, #tpu.memory_space<hbm>> -> memref<64x64xf32, #tpu.memory_space<hbm>>
          %dma_wait3A_577 = arith.constant 64 : i32
          %dma_wait3A_578 = tpu.memref_slice %arg6[%select_n3A_535, %select_n3A_551, %dma_wait3A_577] : memref<15x4096x128xf32, #tpu.memory_space<hbm>> -> memref<1x64x64xf32, #tpu.memory_space<hbm>>
          %dma_wait3A_579 = tpu.memref_squeeze %dma_wait3A_578 : memref<1x64x64xf32, #tpu.memory_space<hbm>> -> memref<64x64xf32, #tpu.memory_space<hbm>>
          %dma_wait3A_580 = arith.constant 0 : i32
          %dma_wait3A_581 = arith.constant 0 : i32
          %dma_wait3A_582 = tpu.memref_slice %arg10[%dma_wait3A_568, %dma_wait3A_569, %dma_wait3A_580, %dma_wait3A_581] : memref<4x2x64x64xf32, #tpu.memory_space<vmem>> -> memref<1x1x64x64xf32, #tpu.memory_space<vmem>>
          %dma_wait3A_583 = tpu.memref_squeeze %dma_wait3A_582 : memref<1x1x64x64xf32, #tpu.memory_space<vmem>> -> memref<64x64xf32, #tpu.memory_space<vmem>>
          tpu.wait_dma2 semaphore(%arg18 : memref<!tpu.dma_semaphore, #tpu.memory_space<semaphore_mem>>) src(%dma_wait3A_583 : memref<64x64xf32, #tpu.memory_space<vmem>>) dst(%dma_wait3A_579 : memref<64x64xf32, #tpu.memory_space<hbm>>)
        } else {
        }
        %dma_start3A_483 = arith.constant 1 : i32
        %dma_start3A_484 = arith.constant 0 : i32
        %dma_start3A_485 = arith.constant 0 : i32
        %dma_start3A_486 = arith.constant 0 : i32
        %dma_start3A_487 = tpu.memref_slice %arg10[%dma_start3A_483, %dma_start3A_484, %dma_start3A_485, %dma_start3A_486] : memref<4x2x64x64xf32, #tpu.memory_space<vmem>> -> memref<1x1x64x64xf32, #tpu.memory_space<vmem>>
        %dma_start3A_488 = tpu.memref_squeeze %dma_start3A_487 : memref<1x1x64x64xf32, #tpu.memory_space<vmem>> -> memref<64x64xf32, #tpu.memory_space<vmem>>
        %dma_start3A_489 = arith.constant 0 : i32
        %dma_start3A_490 = tpu.memref_slice %arg8[%sub3A_455, %dma_start3A_489] : memref<32x128xi32, #tpu.memory_space<vmem>> -> memref<1x64xi32, #tpu.memory_space<vmem>>
        %dma_start3A_491 = tpu.memref_squeeze %dma_start3A_490 : memref<1x64xi32, #tpu.memory_space<vmem>> -> memref<64xi32, #tpu.memory_space<vmem>>
        %dma_start3A_492 = arith.constant 0 : i32
        %dma_start3A_493 = arith.constant 0 : i32
        %dma_start3A_494 = tpu.memref_slice %arg4[%dma_start3A_492, %dma_start3A_493] : memref<30000x64xf32, #tpu.memory_space<hbm>> -> memref<30000x64xf32, #tpu.memory_space<hbm>>
        tpu.enqueue_indirect_dma source(%dma_start3A_494 : memref<30000x64xf32, #tpu.memory_space<hbm>>) target(%dma_start3A_488 : memref<64x64xf32, #tpu.memory_space<vmem>>) offsets(%dma_start3A_491 : memref<64xi32, #tpu.memory_space<vmem>>) semaphore(%arg14 : memref<!tpu.dma_semaphore, #tpu.memory_space<semaphore_mem>>)
        %dma_start3A_495 = arith.constant 1 : i32
        %dma_start3A_496 = arith.constant 1 : i32
        %dma_start3A_497 = arith.constant 0 : i32
        %dma_start3A_498 = arith.constant 0 : i32
        %dma_start3A_499 = tpu.memref_slice %arg10[%dma_start3A_495, %dma_start3A_496, %dma_start3A_497, %dma_start3A_498] : memref<4x2x64x64xf32, #tpu.memory_space<vmem>> -> memref<1x1x64x64xf32, #tpu.memory_space<vmem>>
        %dma_start3A_500 = tpu.memref_squeeze %dma_start3A_499 : memref<1x1x64x64xf32, #tpu.memory_space<vmem>> -> memref<64x64xf32, #tpu.memory_space<vmem>>
        %dma_start3A_501 = arith.constant 64 : i32
        %dma_start3A_502 = tpu.memref_slice %arg8[%sub3A_455, %dma_start3A_501] : memref<32x128xi32, #tpu.memory_space<vmem>> -> memref<1x64xi32, #tpu.memory_space<vmem>>
        %dma_start3A_503 = tpu.memref_squeeze %dma_start3A_502 : memref<1x64xi32, #tpu.memory_space<vmem>> -> memref<64xi32, #tpu.memory_space<vmem>>
        %dma_start3A_504 = arith.constant 0 : i32
        %dma_start3A_505 = arith.constant 0 : i32
        %dma_start3A_506 = tpu.memref_slice %arg4[%dma_start3A_504, %dma_start3A_505] : memref<30000x64xf32, #tpu.memory_space<hbm>> -> memref<30000x64xf32, #tpu.memory_space<hbm>>
        tpu.enqueue_indirect_dma source(%dma_start3A_506 : memref<30000x64xf32, #tpu.memory_space<hbm>>) target(%dma_start3A_500 : memref<64x64xf32, #tpu.memory_space<vmem>>) offsets(%dma_start3A_503 : memref<64xi32, #tpu.memory_space<vmem>>) semaphore(%arg14 : memref<!tpu.dma_semaphore, #tpu.memory_space<semaphore_mem>>)
      } else {
      }
      %mul3A_461 = arith.constant 4 : i32
      %mul3A_462 = arith.muli %mul3A_461, %scan3A_408 : i32
      %add3A_463 = arith.constant 3 : i32
      %add3A_464 = arith.addi %mul3A_462, %add3A_463 : i32
      %lt3A_465 = arith.constant 30 : i32
      %lt3A_466 = arith.cmpi slt, %add3A_464, %lt3A_465 : i32
      %convert_element_type3A_467 = arith.extui %lt3A_466 : i1 to i32
      %cond3A_468 = arith.constant 0 : i32
      %cond3A_469 = arith.cmpi ne, %convert_element_type3A_467, %cond3A_468 : i32
      scf.if %cond3A_469 {
        %dma_wait3A_479 = arith.constant 3 : i32
        %dma_wait3A_480 = arith.constant 0 : i32
        %dma_wait3A_481 = arith.constant 0 : i32
        %dma_wait3A_482 = arith.constant 0 : i32
        %dma_wait3A_483 = tpu.memref_slice %arg10[%dma_wait3A_479, %dma_wait3A_480, %dma_wait3A_481, %dma_wait3A_482] : memref<4x2x64x64xf32, #tpu.memory_space<vmem>> -> memref<1x1x64x64xf32, #tpu.memory_space<vmem>>
        %dma_wait3A_484 = tpu.memref_squeeze %dma_wait3A_483 : memref<1x1x64x64xf32, #tpu.memory_space<vmem>> -> memref<64x64xf32, #tpu.memory_space<vmem>>
        %dma_wait3A_485 = arith.constant 0 : i32
        %dma_wait3A_486 = tpu.memref_slice %arg8[%add3A_464, %dma_wait3A_485] : memref<32x128xi32, #tpu.memory_space<vmem>> -> memref<1x64xi32, #tpu.memory_space<vmem>>
        %dma_wait3A_487 = tpu.memref_squeeze %dma_wait3A_486 : memref<1x64xi32, #tpu.memory_space<vmem>> -> memref<64xi32, #tpu.memory_space<vmem>>
        %dma_wait3A_488 = arith.constant 0 : i32
        %dma_wait3A_489 = arith.constant 0 : i32
        %dma_wait3A_490 = tpu.memref_slice %arg4[%dma_wait3A_488, %dma_wait3A_489] : memref<30000x64xf32, #tpu.memory_space<hbm>> -> memref<30000x64xf32, #tpu.memory_space<hbm>>
        tpu.wait_indirect_dma semaphore(%arg16 : memref<!tpu.dma_semaphore, #tpu.memory_space<semaphore_mem>>) src(%dma_wait3A_490 : memref<30000x64xf32, #tpu.memory_space<hbm>>) dst(%dma_wait3A_484 : memref<64x64xf32, #tpu.memory_space<vmem>>)
        %dma_wait3A_491 = arith.constant 3 : i32
        %dma_wait3A_492 = arith.constant 1 : i32
        %dma_wait3A_493 = arith.constant 0 : i32
        %dma_wait3A_494 = arith.constant 0 : i32
        %dma_wait3A_495 = tpu.memref_slice %arg10[%dma_wait3A_491, %dma_wait3A_492, %dma_wait3A_493, %dma_wait3A_494] : memref<4x2x64x64xf32, #tpu.memory_space<vmem>> -> memref<1x1x64x64xf32, #tpu.memory_space<vmem>>
        %dma_wait3A_496 = tpu.memref_squeeze %dma_wait3A_495 : memref<1x1x64x64xf32, #tpu.memory_space<vmem>> -> memref<64x64xf32, #tpu.memory_space<vmem>>
        %dma_wait3A_497 = arith.constant 64 : i32
        %dma_wait3A_498 = tpu.memref_slice %arg8[%add3A_464, %dma_wait3A_497] : memref<32x128xi32, #tpu.memory_space<vmem>> -> memref<1x64xi32, #tpu.memory_space<vmem>>
        %dma_wait3A_499 = tpu.memref_squeeze %dma_wait3A_498 : memref<1x64xi32, #tpu.memory_space<vmem>> -> memref<64xi32, #tpu.memory_space<vmem>>
        %dma_wait3A_500 = arith.constant 0 : i32
        %dma_wait3A_501 = arith.constant 0 : i32
        %dma_wait3A_502 = tpu.memref_slice %arg4[%dma_wait3A_500, %dma_wait3A_501] : memref<30000x64xf32, #tpu.memory_space<hbm>> -> memref<30000x64xf32, #tpu.memory_space<hbm>>
        tpu.wait_indirect_dma semaphore(%arg16 : memref<!tpu.dma_semaphore, #tpu.memory_space<semaphore_mem>>) src(%dma_wait3A_502 : memref<30000x64xf32, #tpu.memory_space<hbm>>) dst(%dma_wait3A_496 : memref<64x64xf32, #tpu.memory_space<vmem>>)
        %mul3A_503 = arith.constant 64 : i32
        %mul3A_504 = arith.muli %add3A_464, %mul3A_503 : i32
        %add3A_505 = arith.addi %mul3A_2, %mul3A_504 : i32
        %jit3A_506 = arith.constant 4096 : i32
        %div3A_507 = arith.divsi %add3A_505, %jit3A_506 : i32
        %sign3A_508 = arith.constant 0 : i32
        %sign3A_509 = arith.cmpi sgt, %add3A_505, %sign3A_508 : i32
        %sign3A_510 = arith.extui %sign3A_509 : i1 to i32
        %sign3A_511 = arith.constant 0 : i32
        %sign3A_512 = arith.cmpi slt, %add3A_505, %sign3A_511 : i32
        %sign3A_513 = arith.extui %sign3A_512 : i1 to i32
        %sign3A_514 = arith.subi %sign3A_510, %sign3A_513 : i32
        %sign3A_515 = arith.constant 0 : i32
        %sign3A_516 = arith.cmpi sgt, %jit3A_506, %sign3A_515 : i32
        %sign3A_517 = arith.extui %sign3A_516 : i1 to i32
        %sign3A_518 = arith.constant 0 : i32
        %sign3A_519 = arith.cmpi slt, %jit3A_506, %sign3A_518 : i32
        %sign3A_520 = arith.extui %sign3A_519 : i1 to i32
        %sign3A_521 = arith.subi %sign3A_517, %sign3A_520 : i32
        %ne3A_522 = arith.cmpi ne, %sign3A_514, %sign3A_521 : i32
        %rem3A_523 = arith.remsi %add3A_505, %jit3A_506 : i32
        %ne3A_524 = arith.constant 0 : i32
        %ne3A_525 = arith.cmpi ne, %rem3A_523, %ne3A_524 : i32
        %and3A_526 = arith.andi %ne3A_522, %ne3A_525 : i1
        %sub3A_527 = arith.constant 1 : i32
        %sub3A_528 = arith.subi %div3A_507, %sub3A_527 : i32
        %select_n3A_529 = arith.select %and3A_526, %sub3A_528, %div3A_507 : i32
        %jit3A_530 = arith.constant 4096 : i32
        %eq3A_531 = arith.constant 0 : i32
        %eq3A_532 = arith.cmpi eq, %jit3A_530, %eq3A_531 : i32
        %jit3A_533 = arith.constant 1 : i32
        %select_n3A_534 = arith.select %eq3A_532, %jit3A_533, %jit3A_530 : i32
        %rem3A_535 = arith.remsi %add3A_505, %select_n3A_534 : i32
        %ne3A_536 = arith.constant 0 : i32
        %ne3A_537 = arith.cmpi ne, %rem3A_535, %ne3A_536 : i32
        %lt3A_538 = arith.constant 0 : i32
        %lt3A_539 = arith.cmpi slt, %rem3A_535, %lt3A_538 : i32
        %lt3A_540 = arith.constant 0 : i32
        %lt3A_541 = arith.cmpi slt, %select_n3A_534, %lt3A_540 : i32
        %ne3A_542 = arith.xori %lt3A_539, %lt3A_541 : i1
        %and3A_543 = arith.andi %ne3A_542, %ne3A_537 : i1
        %add3A_544 = arith.addi %rem3A_535, %select_n3A_534 : i32
        %select_n3A_545 = arith.select %and3A_543, %add3A_544, %rem3A_535 : i32
        %dma_start3A_546 = arith.constant 3 : i32
        %dma_start3A_547 = arith.constant 0 : i32
        %dma_start3A_548 = arith.constant 0 : i32
        %dma_start3A_549 = arith.constant 0 : i32
        %dma_start3A_550 = tpu.memref_slice %arg10[%dma_start3A_546, %dma_start3A_547, %dma_start3A_548, %dma_start3A_549] : memref<4x2x64x64xf32, #tpu.memory_space<vmem>> -> memref<1x1x64x64xf32, #tpu.memory_space<vmem>>
        %dma_start3A_551 = tpu.memref_squeeze %dma_start3A_550 : memref<1x1x64x64xf32, #tpu.memory_space<vmem>> -> memref<64x64xf32, #tpu.memory_space<vmem>>
        %dma_start3A_552 = arith.constant 0 : i32
        %dma_start3A_553 = tpu.memref_slice %arg6[%select_n3A_529, %select_n3A_545, %dma_start3A_552] : memref<15x4096x128xf32, #tpu.memory_space<hbm>> -> memref<1x64x64xf32, #tpu.memory_space<hbm>>
        %dma_start3A_554 = tpu.memref_squeeze %dma_start3A_553 : memref<1x64x64xf32, #tpu.memory_space<hbm>> -> memref<64x64xf32, #tpu.memory_space<hbm>>
        %dma_start3A_555 = arith.constant 0 : i32
        %dma_start3A_556 = tpu.memref_slice %arg6[%select_n3A_529, %select_n3A_545, %dma_start3A_555] : memref<15x4096x128xf32, #tpu.memory_space<hbm>> -> memref<1x64x64xf32, #tpu.memory_space<hbm>>
        %dma_start3A_557 = tpu.memref_squeeze %dma_start3A_556 : memref<1x64x64xf32, #tpu.memory_space<hbm>> -> memref<64x64xf32, #tpu.memory_space<hbm>>
        %dma_start3A_558 = arith.constant 0 : i32
        %dma_start3A_559 = arith.constant 0 : i32
        %dma_start3A_560 = tpu.memref_slice %arg10[%dma_start3A_546, %dma_start3A_547, %dma_start3A_558, %dma_start3A_559] : memref<4x2x64x64xf32, #tpu.memory_space<vmem>> -> memref<1x1x64x64xf32, #tpu.memory_space<vmem>>
        %dma_start3A_561 = tpu.memref_squeeze %dma_start3A_560 : memref<1x1x64x64xf32, #tpu.memory_space<vmem>> -> memref<64x64xf32, #tpu.memory_space<vmem>>
        tpu.enqueue_dma source(%dma_start3A_561 : memref<64x64xf32, #tpu.memory_space<vmem>>) target(%dma_start3A_557 : memref<64x64xf32, #tpu.memory_space<hbm>>) target_semaphore(%arg20 : memref<!tpu.dma_semaphore, #tpu.memory_space<semaphore_mem>>)
        %dma_start3A_562 = arith.constant 3 : i32
        %dma_start3A_563 = arith.constant 1 : i32
        %dma_start3A_564 = arith.constant 0 : i32
        %dma_start3A_565 = arith.constant 0 : i32
        %dma_start3A_566 = tpu.memref_slice %arg10[%dma_start3A_562, %dma_start3A_563, %dma_start3A_564, %dma_start3A_565] : memref<4x2x64x64xf32, #tpu.memory_space<vmem>> -> memref<1x1x64x64xf32, #tpu.memory_space<vmem>>
        %dma_start3A_567 = tpu.memref_squeeze %dma_start3A_566 : memref<1x1x64x64xf32, #tpu.memory_space<vmem>> -> memref<64x64xf32, #tpu.memory_space<vmem>>
        %dma_start3A_568 = arith.constant 64 : i32
        %dma_start3A_569 = tpu.memref_slice %arg6[%select_n3A_529, %select_n3A_545, %dma_start3A_568] : memref<15x4096x128xf32, #tpu.memory_space<hbm>> -> memref<1x64x64xf32, #tpu.memory_space<hbm>>
        %dma_start3A_570 = tpu.memref_squeeze %dma_start3A_569 : memref<1x64x64xf32, #tpu.memory_space<hbm>> -> memref<64x64xf32, #tpu.memory_space<hbm>>
        %dma_start3A_571 = arith.constant 64 : i32
        %dma_start3A_572 = tpu.memref_slice %arg6[%select_n3A_529, %select_n3A_545, %dma_start3A_571] : memref<15x4096x128xf32, #tpu.memory_space<hbm>> -> memref<1x64x64xf32, #tpu.memory_space<hbm>>
        %dma_start3A_573 = tpu.memref_squeeze %dma_start3A_572 : memref<1x64x64xf32, #tpu.memory_space<hbm>> -> memref<64x64xf32, #tpu.memory_space<hbm>>
        %dma_start3A_574 = arith.constant 0 : i32
        %dma_start3A_575 = arith.constant 0 : i32
        %dma_start3A_576 = tpu.memref_slice %arg10[%dma_start3A_562, %dma_start3A_563, %dma_start3A_574, %dma_start3A_575] : memref<4x2x64x64xf32, #tpu.memory_space<vmem>> -> memref<1x1x64x64xf32, #tpu.memory_space<vmem>>
        %dma_start3A_577 = tpu.memref_squeeze %dma_start3A_576 : memref<1x1x64x64xf32, #tpu.memory_space<vmem>> -> memref<64x64xf32, #tpu.memory_space<vmem>>
        tpu.enqueue_dma source(%dma_start3A_577 : memref<64x64xf32, #tpu.memory_space<vmem>>) target(%dma_start3A_573 : memref<64x64xf32, #tpu.memory_space<hbm>>) target_semaphore(%arg20 : memref<!tpu.dma_semaphore, #tpu.memory_space<semaphore_mem>>)
      } else {
      }
      %add3A_470 = arith.constant 4 : i32
      %add3A_471 = arith.addi %add3A_464, %add3A_470 : i32
      %sub3A_472 = arith.constant 1 : i32
      %sub3A_473 = arith.subi %add3A_471, %sub3A_472 : i32
      %lt3A_474 = arith.constant 30 : i32
      %lt3A_475 = arith.cmpi slt, %sub3A_473, %lt3A_474 : i32
      %convert_element_type3A_476 = arith.extui %lt3A_475 : i1 to i32
      %cond3A_477 = arith.constant 0 : i32
      %cond3A_478 = arith.cmpi ne, %convert_element_type3A_476, %cond3A_477 : i32
      scf.if %cond3A_478 {
        %ge3A = arith.constant 4 : i32
        %ge3A_479 = arith.cmpi sge, %sub3A_473, %ge3A : i32
        %convert_element_type3A_480 = arith.extui %ge3A_479 : i1 to i32
        %cond3A_481 = arith.constant 0 : i32
        %cond3A_482 = arith.cmpi ne, %convert_element_type3A_480, %cond3A_481 : i32
        scf.if %cond3A_482 {
          %sub3A_507 = arith.constant 4 : i32
          %sub3A_508 = arith.subi %sub3A_473, %sub3A_507 : i32
          %mul3A_509 = arith.constant 64 : i32
          %mul3A_510 = arith.muli %sub3A_508, %mul3A_509 : i32
          %add3A_511 = arith.addi %mul3A_2, %mul3A_510 : i32
          %jit3A_512 = arith.constant 4096 : i32
          %div3A_513 = arith.divsi %add3A_511, %jit3A_512 : i32
          %sign3A_514 = arith.constant 0 : i32
          %sign3A_515 = arith.cmpi sgt, %add3A_511, %sign3A_514 : i32
          %sign3A_516 = arith.extui %sign3A_515 : i1 to i32
          %sign3A_517 = arith.constant 0 : i32
          %sign3A_518 = arith.cmpi slt, %add3A_511, %sign3A_517 : i32
          %sign3A_519 = arith.extui %sign3A_518 : i1 to i32
          %sign3A_520 = arith.subi %sign3A_516, %sign3A_519 : i32
          %sign3A_521 = arith.constant 0 : i32
          %sign3A_522 = arith.cmpi sgt, %jit3A_512, %sign3A_521 : i32
          %sign3A_523 = arith.extui %sign3A_522 : i1 to i32
          %sign3A_524 = arith.constant 0 : i32
          %sign3A_525 = arith.cmpi slt, %jit3A_512, %sign3A_524 : i32
          %sign3A_526 = arith.extui %sign3A_525 : i1 to i32
          %sign3A_527 = arith.subi %sign3A_523, %sign3A_526 : i32
          %ne3A_528 = arith.cmpi ne, %sign3A_520, %sign3A_527 : i32
          %rem3A_529 = arith.remsi %add3A_511, %jit3A_512 : i32
          %ne3A_530 = arith.constant 0 : i32
          %ne3A_531 = arith.cmpi ne, %rem3A_529, %ne3A_530 : i32
          %and3A_532 = arith.andi %ne3A_528, %ne3A_531 : i1
          %sub3A_533 = arith.constant 1 : i32
          %sub3A_534 = arith.subi %div3A_513, %sub3A_533 : i32
          %select_n3A_535 = arith.select %and3A_532, %sub3A_534, %div3A_513 : i32
          %jit3A_536 = arith.constant 4096 : i32
          %eq3A_537 = arith.constant 0 : i32
          %eq3A_538 = arith.cmpi eq, %jit3A_536, %eq3A_537 : i32
          %jit3A_539 = arith.constant 1 : i32
          %select_n3A_540 = arith.select %eq3A_538, %jit3A_539, %jit3A_536 : i32
          %rem3A_541 = arith.remsi %add3A_511, %select_n3A_540 : i32
          %ne3A_542 = arith.constant 0 : i32
          %ne3A_543 = arith.cmpi ne, %rem3A_541, %ne3A_542 : i32
          %lt3A_544 = arith.constant 0 : i32
          %lt3A_545 = arith.cmpi slt, %rem3A_541, %lt3A_544 : i32
          %lt3A_546 = arith.constant 0 : i32
          %lt3A_547 = arith.cmpi slt, %select_n3A_540, %lt3A_546 : i32
          %ne3A_548 = arith.xori %lt3A_545, %lt3A_547 : i1
          %and3A_549 = arith.andi %ne3A_548, %ne3A_543 : i1
          %add3A_550 = arith.addi %rem3A_541, %select_n3A_540 : i32
          %select_n3A_551 = arith.select %and3A_549, %add3A_550, %rem3A_541 : i32
          %dma_wait3A_552 = arith.constant 2 : i32
          %dma_wait3A_553 = arith.constant 0 : i32
          %dma_wait3A_554 = arith.constant 0 : i32
          %dma_wait3A_555 = arith.constant 0 : i32
          %dma_wait3A_556 = tpu.memref_slice %arg10[%dma_wait3A_552, %dma_wait3A_553, %dma_wait3A_554, %dma_wait3A_555] : memref<4x2x64x64xf32, #tpu.memory_space<vmem>> -> memref<1x1x64x64xf32, #tpu.memory_space<vmem>>
          %dma_wait3A_557 = tpu.memref_squeeze %dma_wait3A_556 : memref<1x1x64x64xf32, #tpu.memory_space<vmem>> -> memref<64x64xf32, #tpu.memory_space<vmem>>
          %dma_wait3A_558 = arith.constant 0 : i32
          %dma_wait3A_559 = tpu.memref_slice %arg6[%select_n3A_535, %select_n3A_551, %dma_wait3A_558] : memref<15x4096x128xf32, #tpu.memory_space<hbm>> -> memref<1x64x64xf32, #tpu.memory_space<hbm>>
          %dma_wait3A_560 = tpu.memref_squeeze %dma_wait3A_559 : memref<1x64x64xf32, #tpu.memory_space<hbm>> -> memref<64x64xf32, #tpu.memory_space<hbm>>
          %dma_wait3A_561 = arith.constant 0 : i32
          %dma_wait3A_562 = tpu.memref_slice %arg6[%select_n3A_535, %select_n3A_551, %dma_wait3A_561] : memref<15x4096x128xf32, #tpu.memory_space<hbm>> -> memref<1x64x64xf32, #tpu.memory_space<hbm>>
          %dma_wait3A_563 = tpu.memref_squeeze %dma_wait3A_562 : memref<1x64x64xf32, #tpu.memory_space<hbm>> -> memref<64x64xf32, #tpu.memory_space<hbm>>
          %dma_wait3A_564 = arith.constant 0 : i32
          %dma_wait3A_565 = arith.constant 0 : i32
          %dma_wait3A_566 = tpu.memref_slice %arg10[%dma_wait3A_552, %dma_wait3A_553, %dma_wait3A_564, %dma_wait3A_565] : memref<4x2x64x64xf32, #tpu.memory_space<vmem>> -> memref<1x1x64x64xf32, #tpu.memory_space<vmem>>
          %dma_wait3A_567 = tpu.memref_squeeze %dma_wait3A_566 : memref<1x1x64x64xf32, #tpu.memory_space<vmem>> -> memref<64x64xf32, #tpu.memory_space<vmem>>
          tpu.wait_dma2 semaphore(%arg19 : memref<!tpu.dma_semaphore, #tpu.memory_space<semaphore_mem>>) src(%dma_wait3A_567 : memref<64x64xf32, #tpu.memory_space<vmem>>) dst(%dma_wait3A_563 : memref<64x64xf32, #tpu.memory_space<hbm>>)
          %dma_wait3A_568 = arith.constant 2 : i32
          %dma_wait3A_569 = arith.constant 1 : i32
          %dma_wait3A_570 = arith.constant 0 : i32
          %dma_wait3A_571 = arith.constant 0 : i32
          %dma_wait3A_572 = tpu.memref_slice %arg10[%dma_wait3A_568, %dma_wait3A_569, %dma_wait3A_570, %dma_wait3A_571] : memref<4x2x64x64xf32, #tpu.memory_space<vmem>> -> memref<1x1x64x64xf32, #tpu.memory_space<vmem>>
          %dma_wait3A_573 = tpu.memref_squeeze %dma_wait3A_572 : memref<1x1x64x64xf32, #tpu.memory_space<vmem>> -> memref<64x64xf32, #tpu.memory_space<vmem>>
          %dma_wait3A_574 = arith.constant 64 : i32
          %dma_wait3A_575 = tpu.memref_slice %arg6[%select_n3A_535, %select_n3A_551, %dma_wait3A_574] : memref<15x4096x128xf32, #tpu.memory_space<hbm>> -> memref<1x64x64xf32, #tpu.memory_space<hbm>>
          %dma_wait3A_576 = tpu.memref_squeeze %dma_wait3A_575 : memref<1x64x64xf32, #tpu.memory_space<hbm>> -> memref<64x64xf32, #tpu.memory_space<hbm>>
          %dma_wait3A_577 = arith.constant 64 : i32
          %dma_wait3A_578 = tpu.memref_slice %arg6[%select_n3A_535, %select_n3A_551, %dma_wait3A_577] : memref<15x4096x128xf32, #tpu.memory_space<hbm>> -> memref<1x64x64xf32, #tpu.memory_space<hbm>>
          %dma_wait3A_579 = tpu.memref_squeeze %dma_wait3A_578 : memref<1x64x64xf32, #tpu.memory_space<hbm>> -> memref<64x64xf32, #tpu.memory_space<hbm>>
          %dma_wait3A_580 = arith.constant 0 : i32
          %dma_wait3A_581 = arith.constant 0 : i32
          %dma_wait3A_582 = tpu.memref_slice %arg10[%dma_wait3A_568, %dma_wait3A_569, %dma_wait3A_580, %dma_wait3A_581] : memref<4x2x64x64xf32, #tpu.memory_space<vmem>> -> memref<1x1x64x64xf32, #tpu.memory_space<vmem>>
          %dma_wait3A_583 = tpu.memref_squeeze %dma_wait3A_582 : memref<1x1x64x64xf32, #tpu.memory_space<vmem>> -> memref<64x64xf32, #tpu.memory_space<vmem>>
          tpu.wait_dma2 semaphore(%arg19 : memref<!tpu.dma_semaphore, #tpu.memory_space<semaphore_mem>>) src(%dma_wait3A_583 : memref<64x64xf32, #tpu.memory_space<vmem>>) dst(%dma_wait3A_579 : memref<64x64xf32, #tpu.memory_space<hbm>>)
        } else {
        }
        %dma_start3A_483 = arith.constant 2 : i32
        %dma_start3A_484 = arith.constant 0 : i32
        %dma_start3A_485 = arith.constant 0 : i32
        %dma_start3A_486 = arith.constant 0 : i32
        %dma_start3A_487 = tpu.memref_slice %arg10[%dma_start3A_483, %dma_start3A_484, %dma_start3A_485, %dma_start3A_486] : memref<4x2x64x64xf32, #tpu.memory_space<vmem>> -> memref<1x1x64x64xf32, #tpu.memory_space<vmem>>
        %dma_start3A_488 = tpu.memref_squeeze %dma_start3A_487 : memref<1x1x64x64xf32, #tpu.memory_space<vmem>> -> memref<64x64xf32, #tpu.memory_space<vmem>>
        %dma_start3A_489 = arith.constant 0 : i32
        %dma_start3A_490 = tpu.memref_slice %arg8[%sub3A_473, %dma_start3A_489] : memref<32x128xi32, #tpu.memory_space<vmem>> -> memref<1x64xi32, #tpu.memory_space<vmem>>
        %dma_start3A_491 = tpu.memref_squeeze %dma_start3A_490 : memref<1x64xi32, #tpu.memory_space<vmem>> -> memref<64xi32, #tpu.memory_space<vmem>>
        %dma_start3A_492 = arith.constant 0 : i32
        %dma_start3A_493 = arith.constant 0 : i32
        %dma_start3A_494 = tpu.memref_slice %arg4[%dma_start3A_492, %dma_start3A_493] : memref<30000x64xf32, #tpu.memory_space<hbm>> -> memref<30000x64xf32, #tpu.memory_space<hbm>>
        tpu.enqueue_indirect_dma source(%dma_start3A_494 : memref<30000x64xf32, #tpu.memory_space<hbm>>) target(%dma_start3A_488 : memref<64x64xf32, #tpu.memory_space<vmem>>) offsets(%dma_start3A_491 : memref<64xi32, #tpu.memory_space<vmem>>) semaphore(%arg15 : memref<!tpu.dma_semaphore, #tpu.memory_space<semaphore_mem>>)
        %dma_start3A_495 = arith.constant 2 : i32
        %dma_start3A_496 = arith.constant 1 : i32
        %dma_start3A_497 = arith.constant 0 : i32
        %dma_start3A_498 = arith.constant 0 : i32
        %dma_start3A_499 = tpu.memref_slice %arg10[%dma_start3A_495, %dma_start3A_496, %dma_start3A_497, %dma_start3A_498] : memref<4x2x64x64xf32, #tpu.memory_space<vmem>> -> memref<1x1x64x64xf32, #tpu.memory_space<vmem>>
        %dma_start3A_500 = tpu.memref_squeeze %dma_start3A_499 : memref<1x1x64x64xf32, #tpu.memory_space<vmem>> -> memref<64x64xf32, #tpu.memory_space<vmem>>
        %dma_start3A_501 = arith.constant 64 : i32
        %dma_start3A_502 = tpu.memref_slice %arg8[%sub3A_473, %dma_start3A_501] : memref<32x128xi32, #tpu.memory_space<vmem>> -> memref<1x64xi32, #tpu.memory_space<vmem>>
        %dma_start3A_503 = tpu.memref_squeeze %dma_start3A_502 : memref<1x64xi32, #tpu.memory_space<vmem>> -> memref<64xi32, #tpu.memory_space<vmem>>
        %dma_start3A_504 = arith.constant 0 : i32
        %dma_start3A_505 = arith.constant 0 : i32
        %dma_start3A_506 = tpu.memref_slice %arg4[%dma_start3A_504, %dma_start3A_505] : memref<30000x64xf32, #tpu.memory_space<hbm>> -> memref<30000x64xf32, #tpu.memory_space<hbm>>
        tpu.enqueue_indirect_dma source(%dma_start3A_506 : memref<30000x64xf32, #tpu.memory_space<hbm>>) target(%dma_start3A_500 : memref<64x64xf32, #tpu.memory_space<vmem>>) offsets(%dma_start3A_503 : memref<64xi32, #tpu.memory_space<vmem>>) semaphore(%arg15 : memref<!tpu.dma_semaphore, #tpu.memory_space<semaphore_mem>>)
      } else {
      }
    }
    %scan3A_84 = arith.constant 8 : i32
    %add3A_85 = arith.constant 1664 : i32
    %add3A_86 = arith.addi %mul3A_2, %add3A_85 : i32
    %jit3A = arith.constant 4096 : i32
    %div3A = arith.divsi %add3A_86, %jit3A : i32
    %sign3A = arith.constant 0 : i32
    %sign3A_87 = arith.cmpi sgt, %add3A_86, %sign3A : i32
    %sign3A_88 = arith.extui %sign3A_87 : i1 to i32
    %sign3A_89 = arith.constant 0 : i32
    %sign3A_90 = arith.cmpi slt, %add3A_86, %sign3A_89 : i32
    %sign3A_91 = arith.extui %sign3A_90 : i1 to i32
    %sign3A_92 = arith.subi %sign3A_88, %sign3A_91 : i32
    %sign3A_93 = arith.constant 0 : i32
    %sign3A_94 = arith.cmpi sgt, %jit3A, %sign3A_93 : i32
    %sign3A_95 = arith.extui %sign3A_94 : i1 to i32
    %sign3A_96 = arith.constant 0 : i32
    %sign3A_97 = arith.cmpi slt, %jit3A, %sign3A_96 : i32
    %sign3A_98 = arith.extui %sign3A_97 : i1 to i32
    %sign3A_99 = arith.subi %sign3A_95, %sign3A_98 : i32
    %ne3A = arith.cmpi ne, %sign3A_92, %sign3A_99 : i32
    %rem3A = arith.remsi %add3A_86, %jit3A : i32
    %ne3A_100 = arith.constant 0 : i32
    %ne3A_101 = arith.cmpi ne, %rem3A, %ne3A_100 : i32
    %and3A = arith.andi %ne3A, %ne3A_101 : i1
    %sub3A = arith.constant 1 : i32
    %sub3A_102 = arith.subi %div3A, %sub3A : i32
    %select_n3A = arith.select %and3A, %sub3A_102, %div3A : i32
    %jit3A_103 = arith.constant 4096 : i32
    %eq3A = arith.constant 0 : i32
    %eq3A_104 = arith.cmpi eq, %jit3A_103, %eq3A : i32
    %jit3A_105 = arith.constant 1 : i32
    %select_n3A_106 = arith.select %eq3A_104, %jit3A_105, %jit3A_103 : i32
    %rem3A_107 = arith.remsi %add3A_86, %select_n3A_106 : i32
    %ne3A_108 = arith.constant 0 : i32
    %ne3A_109 = arith.cmpi ne, %rem3A_107, %ne3A_108 : i32
    %lt3A = arith.constant 0 : i32
    %lt3A_110 = arith.cmpi slt, %rem3A_107, %lt3A : i32
    %lt3A_111 = arith.constant 0 : i32
    %lt3A_112 = arith.cmpi slt, %select_n3A_106, %lt3A_111 : i32
    %ne3A_113 = arith.xori %lt3A_110, %lt3A_112 : i1
    %and3A_114 = arith.andi %ne3A_113, %ne3A_109 : i1
    %add3A_115 = arith.addi %rem3A_107, %select_n3A_106 : i32
    %select_n3A_116 = arith.select %and3A_114, %add3A_115, %rem3A_107 : i32
    %dma_wait3A = arith.constant 2 : i32
    %dma_wait3A_117 = arith.constant 0 : i32
    %dma_wait3A_118 = arith.constant 0 : i32
    %dma_wait3A_119 = arith.constant 0 : i32
    %dma_wait3A_120 = tpu.memref_slice %arg10[%dma_wait3A, %dma_wait3A_117, %dma_wait3A_118, %dma_wait3A_119] : memref<4x2x64x64xf32, #tpu.memory_space<vmem>> -> memref<1x1x64x64xf32, #tpu.memory_space<vmem>>
    %dma_wait3A_121 = tpu.memref_squeeze %dma_wait3A_120 : memref<1x1x64x64xf32, #tpu.memory_space<vmem>> -> memref<64x64xf32, #tpu.memory_space<vmem>>
    %dma_wait3A_122 = arith.constant 0 : i32
    %dma_wait3A_123 = tpu.memref_slice %arg6[%select_n3A, %select_n3A_116, %dma_wait3A_122] : memref<15x4096x128xf32, #tpu.memory_space<hbm>> -> memref<1x64x64xf32, #tpu.memory_space<hbm>>
    %dma_wait3A_124 = tpu.memref_squeeze %dma_wait3A_123 : memref<1x64x64xf32, #tpu.memory_space<hbm>> -> memref<64x64xf32, #tpu.memory_space<hbm>>
    %dma_wait3A_125 = arith.constant 0 : i32
    %dma_wait3A_126 = tpu.memref_slice %arg6[%select_n3A, %select_n3A_116, %dma_wait3A_125] : memref<15x4096x128xf32, #tpu.memory_space<hbm>> -> memref<1x64x64xf32, #tpu.memory_space<hbm>>
    %dma_wait3A_127 = tpu.memref_squeeze %dma_wait3A_126 : memref<1x64x64xf32, #tpu.memory_space<hbm>> -> memref<64x64xf32, #tpu.memory_space<hbm>>
    %dma_wait3A_128 = arith.constant 0 : i32
    %dma_wait3A_129 = arith.constant 0 : i32
    %dma_wait3A_130 = tpu.memref_slice %arg10[%dma_wait3A, %dma_wait3A_117, %dma_wait3A_128, %dma_wait3A_129] : memref<4x2x64x64xf32, #tpu.memory_space<vmem>> -> memref<1x1x64x64xf32, #tpu.memory_space<vmem>>
    %dma_wait3A_131 = tpu.memref_squeeze %dma_wait3A_130 : memref<1x1x64x64xf32, #tpu.memory_space<vmem>> -> memref<64x64xf32, #tpu.memory_space<vmem>>
    tpu.wait_dma2 semaphore(%arg19 : memref<!tpu.dma_semaphore, #tpu.memory_space<semaphore_mem>>) src(%dma_wait3A_131 : memref<64x64xf32, #tpu.memory_space<vmem>>) dst(%dma_wait3A_127 : memref<64x64xf32, #tpu.memory_space<hbm>>)
    %dma_wait3A_132 = arith.constant 2 : i32
    %dma_wait3A_133 = arith.constant 1 : i32
    %dma_wait3A_134 = arith.constant 0 : i32
    %dma_wait3A_135 = arith.constant 0 : i32
    %dma_wait3A_136 = tpu.memref_slice %arg10[%dma_wait3A_132, %dma_wait3A_133, %dma_wait3A_134, %dma_wait3A_135] : memref<4x2x64x64xf32, #tpu.memory_space<vmem>> -> memref<1x1x64x64xf32, #tpu.memory_space<vmem>>
    %dma_wait3A_137 = tpu.memref_squeeze %dma_wait3A_136 : memref<1x1x64x64xf32, #tpu.memory_space<vmem>> -> memref<64x64xf32, #tpu.memory_space<vmem>>
    %dma_wait3A_138 = arith.constant 64 : i32
    %dma_wait3A_139 = tpu.memref_slice %arg6[%select_n3A, %select_n3A_116, %dma_wait3A_138] : memref<15x4096x128xf32, #tpu.memory_space<hbm>> -> memref<1x64x64xf32, #tpu.memory_space<hbm>>
    %dma_wait3A_140 = tpu.memref_squeeze %dma_wait3A_139 : memref<1x64x64xf32, #tpu.memory_space<hbm>> -> memref<64x64xf32, #tpu.memory_space<hbm>>
    %dma_wait3A_141 = arith.constant 64 : i32
    %dma_wait3A_142 = tpu.memref_slice %arg6[%select_n3A, %select_n3A_116, %dma_wait3A_141] : memref<15x4096x128xf32, #tpu.memory_space<hbm>> -> memref<1x64x64xf32, #tpu.memory_space<hbm>>
    %dma_wait3A_143 = tpu.memref_squeeze %dma_wait3A_142 : memref<1x64x64xf32, #tpu.memory_space<hbm>> -> memref<64x64xf32, #tpu.memory_space<hbm>>
    %dma_wait3A_144 = arith.constant 0 : i32
    %dma_wait3A_145 = arith.constant 0 : i32
    %dma_wait3A_146 = tpu.memref_slice %arg10[%dma_wait3A_132, %dma_wait3A_133, %dma_wait3A_144, %dma_wait3A_145] : memref<4x2x64x64xf32, #tpu.memory_space<vmem>> -> memref<1x1x64x64xf32, #tpu.memory_space<vmem>>
    %dma_wait3A_147 = tpu.memref_squeeze %dma_wait3A_146 : memref<1x1x64x64xf32, #tpu.memory_space<vmem>> -> memref<64x64xf32, #tpu.memory_space<vmem>>
    tpu.wait_dma2 semaphore(%arg19 : memref<!tpu.dma_semaphore, #tpu.memory_space<semaphore_mem>>) src(%dma_wait3A_147 : memref<64x64xf32, #tpu.memory_space<vmem>>) dst(%dma_wait3A_143 : memref<64x64xf32, #tpu.memory_space<hbm>>)
    %add3A_148 = arith.constant 1728 : i32
    %add3A_149 = arith.addi %mul3A_2, %add3A_148 : i32
    %jit3A_150 = arith.constant 4096 : i32
    %div3A_151 = arith.divsi %add3A_149, %jit3A_150 : i32
    %sign3A_152 = arith.constant 0 : i32
    %sign3A_153 = arith.cmpi sgt, %add3A_149, %sign3A_152 : i32
    %sign3A_154 = arith.extui %sign3A_153 : i1 to i32
    %sign3A_155 = arith.constant 0 : i32
    %sign3A_156 = arith.cmpi slt, %add3A_149, %sign3A_155 : i32
    %sign3A_157 = arith.extui %sign3A_156 : i1 to i32
    %sign3A_158 = arith.subi %sign3A_154, %sign3A_157 : i32
    %sign3A_159 = arith.constant 0 : i32
    %sign3A_160 = arith.cmpi sgt, %jit3A_150, %sign3A_159 : i32
    %sign3A_161 = arith.extui %sign3A_160 : i1 to i32
    %sign3A_162 = arith.constant 0 : i32
    %sign3A_163 = arith.cmpi slt, %jit3A_150, %sign3A_162 : i32
    %sign3A_164 = arith.extui %sign3A_163 : i1 to i32
    %sign3A_165 = arith.subi %sign3A_161, %sign3A_164 : i32
    %ne3A_166 = arith.cmpi ne, %sign3A_158, %sign3A_165 : i32
    %rem3A_167 = arith.remsi %add3A_149, %jit3A_150 : i32
    %ne3A_168 = arith.constant 0 : i32
    %ne3A_169 = arith.cmpi ne, %rem3A_167, %ne3A_168 : i32
    %and3A_170 = arith.andi %ne3A_166, %ne3A_169 : i1
    %sub3A_171 = arith.constant 1 : i32
    %sub3A_172 = arith.subi %div3A_151, %sub3A_171 : i32
    %select_n3A_173 = arith.select %and3A_170, %sub3A_172, %div3A_151 : i32
    %jit3A_174 = arith.constant 4096 : i32
    %eq3A_175 = arith.constant 0 : i32
    %eq3A_176 = arith.cmpi eq, %jit3A_174, %eq3A_175 : i32
    %jit3A_177 = arith.constant 1 : i32
    %select_n3A_178 = arith.select %eq3A_176, %jit3A_177, %jit3A_174 : i32
    %rem3A_179 = arith.remsi %add3A_149, %select_n3A_178 : i32
    %ne3A_180 = arith.constant 0 : i32
    %ne3A_181 = arith.cmpi ne, %rem3A_179, %ne3A_180 : i32
    %lt3A_182 = arith.constant 0 : i32
    %lt3A_183 = arith.cmpi slt, %rem3A_179, %lt3A_182 : i32
    %lt3A_184 = arith.constant 0 : i32
    %lt3A_185 = arith.cmpi slt, %select_n3A_178, %lt3A_184 : i32
    %ne3A_186 = arith.xori %lt3A_183, %lt3A_185 : i1
    %and3A_187 = arith.andi %ne3A_186, %ne3A_181 : i1
    %add3A_188 = arith.addi %rem3A_179, %select_n3A_178 : i32
    %select_n3A_189 = arith.select %and3A_187, %add3A_188, %rem3A_179 : i32
    %dma_wait3A_190 = arith.constant 3 : i32
    %dma_wait3A_191 = arith.constant 0 : i32
    %dma_wait3A_192 = arith.constant 0 : i32
    %dma_wait3A_193 = arith.constant 0 : i32
    %dma_wait3A_194 = tpu.memref_slice %arg10[%dma_wait3A_190, %dma_wait3A_191, %dma_wait3A_192, %dma_wait3A_193] : memref<4x2x64x64xf32, #tpu.memory_space<vmem>> -> memref<1x1x64x64xf32, #tpu.memory_space<vmem>>
    %dma_wait3A_195 = tpu.memref_squeeze %dma_wait3A_194 : memref<1x1x64x64xf32, #tpu.memory_space<vmem>> -> memref<64x64xf32, #tpu.memory_space<vmem>>
    %dma_wait3A_196 = arith.constant 0 : i32
    %dma_wait3A_197 = tpu.memref_slice %arg6[%select_n3A_173, %select_n3A_189, %dma_wait3A_196] : memref<15x4096x128xf32, #tpu.memory_space<hbm>> -> memref<1x64x64xf32, #tpu.memory_space<hbm>>
    %dma_wait3A_198 = tpu.memref_squeeze %dma_wait3A_197 : memref<1x64x64xf32, #tpu.memory_space<hbm>> -> memref<64x64xf32, #tpu.memory_space<hbm>>
    %dma_wait3A_199 = arith.constant 0 : i32
    %dma_wait3A_200 = tpu.memref_slice %arg6[%select_n3A_173, %select_n3A_189, %dma_wait3A_199] : memref<15x4096x128xf32, #tpu.memory_space<hbm>> -> memref<1x64x64xf32, #tpu.memory_space<hbm>>
    %dma_wait3A_201 = tpu.memref_squeeze %dma_wait3A_200 : memref<1x64x64xf32, #tpu.memory_space<hbm>> -> memref<64x64xf32, #tpu.memory_space<hbm>>
    %dma_wait3A_202 = arith.constant 0 : i32
    %dma_wait3A_203 = arith.constant 0 : i32
    %dma_wait3A_204 = tpu.memref_slice %arg10[%dma_wait3A_190, %dma_wait3A_191, %dma_wait3A_202, %dma_wait3A_203] : memref<4x2x64x64xf32, #tpu.memory_space<vmem>> -> memref<1x1x64x64xf32, #tpu.memory_space<vmem>>
    %dma_wait3A_205 = tpu.memref_squeeze %dma_wait3A_204 : memref<1x1x64x64xf32, #tpu.memory_space<vmem>> -> memref<64x64xf32, #tpu.memory_space<vmem>>
    tpu.wait_dma2 semaphore(%arg20 : memref<!tpu.dma_semaphore, #tpu.memory_space<semaphore_mem>>) src(%dma_wait3A_205 : memref<64x64xf32, #tpu.memory_space<vmem>>) dst(%dma_wait3A_201 : memref<64x64xf32, #tpu.memory_space<hbm>>)
    %dma_wait3A_206 = arith.constant 3 : i32
    %dma_wait3A_207 = arith.constant 1 : i32
    %dma_wait3A_208 = arith.constant 0 : i32
    %dma_wait3A_209 = arith.constant 0 : i32
    %dma_wait3A_210 = tpu.memref_slice %arg10[%dma_wait3A_206, %dma_wait3A_207, %dma_wait3A_208, %dma_wait3A_209] : memref<4x2x64x64xf32, #tpu.memory_space<vmem>> -> memref<1x1x64x64xf32, #tpu.memory_space<vmem>>
    %dma_wait3A_211 = tpu.memref_squeeze %dma_wait3A_210 : memref<1x1x64x64xf32, #tpu.memory_space<vmem>> -> memref<64x64xf32, #tpu.memory_space<vmem>>
    %dma_wait3A_212 = arith.constant 64 : i32
    %dma_wait3A_213 = tpu.memref_slice %arg6[%select_n3A_173, %select_n3A_189, %dma_wait3A_212] : memref<15x4096x128xf32, #tpu.memory_space<hbm>> -> memref<1x64x64xf32, #tpu.memory_space<hbm>>
    %dma_wait3A_214 = tpu.memref_squeeze %dma_wait3A_213 : memref<1x64x64xf32, #tpu.memory_space<hbm>> -> memref<64x64xf32, #tpu.memory_space<hbm>>
    %dma_wait3A_215 = arith.constant 64 : i32
    %dma_wait3A_216 = tpu.memref_slice %arg6[%select_n3A_173, %select_n3A_189, %dma_wait3A_215] : memref<15x4096x128xf32, #tpu.memory_space<hbm>> -> memref<1x64x64xf32, #tpu.memory_space<hbm>>
    %dma_wait3A_217 = tpu.memref_squeeze %dma_wait3A_216 : memref<1x64x64xf32, #tpu.memory_space<hbm>> -> memref<64x64xf32, #tpu.memory_space<hbm>>
    %dma_wait3A_218 = arith.constant 0 : i32
    %dma_wait3A_219 = arith.constant 0 : i32
    %dma_wait3A_220 = tpu.memref_slice %arg10[%dma_wait3A_206, %dma_wait3A_207, %dma_wait3A_218, %dma_wait3A_219] : memref<4x2x64x64xf32, #tpu.memory_space<vmem>> -> memref<1x1x64x64xf32, #tpu.memory_space<vmem>>
    %dma_wait3A_221 = tpu.memref_squeeze %dma_wait3A_220 : memref<1x1x64x64xf32, #tpu.memory_space<vmem>> -> memref<64x64xf32, #tpu.memory_space<vmem>>
    tpu.wait_dma2 semaphore(%arg20 : memref<!tpu.dma_semaphore, #tpu.memory_space<semaphore_mem>>) src(%dma_wait3A_221 : memref<64x64xf32, #tpu.memory_space<vmem>>) dst(%dma_wait3A_217 : memref<64x64xf32, #tpu.memory_space<hbm>>)
    %add3A_222 = arith.constant 1792 : i32
    %add3A_223 = arith.addi %mul3A_2, %add3A_222 : i32
    %jit3A_224 = arith.constant 4096 : i32
    %div3A_225 = arith.divsi %add3A_223, %jit3A_224 : i32
    %sign3A_226 = arith.constant 0 : i32
    %sign3A_227 = arith.cmpi sgt, %add3A_223, %sign3A_226 : i32
    %sign3A_228 = arith.extui %sign3A_227 : i1 to i32
    %sign3A_229 = arith.constant 0 : i32
    %sign3A_230 = arith.cmpi slt, %add3A_223, %sign3A_229 : i32
    %sign3A_231 = arith.extui %sign3A_230 : i1 to i32
    %sign3A_232 = arith.subi %sign3A_228, %sign3A_231 : i32
    %sign3A_233 = arith.constant 0 : i32
    %sign3A_234 = arith.cmpi sgt, %jit3A_224, %sign3A_233 : i32
    %sign3A_235 = arith.extui %sign3A_234 : i1 to i32
    %sign3A_236 = arith.constant 0 : i32
    %sign3A_237 = arith.cmpi slt, %jit3A_224, %sign3A_236 : i32
    %sign3A_238 = arith.extui %sign3A_237 : i1 to i32
    %sign3A_239 = arith.subi %sign3A_235, %sign3A_238 : i32
    %ne3A_240 = arith.cmpi ne, %sign3A_232, %sign3A_239 : i32
    %rem3A_241 = arith.remsi %add3A_223, %jit3A_224 : i32
    %ne3A_242 = arith.constant 0 : i32
    %ne3A_243 = arith.cmpi ne, %rem3A_241, %ne3A_242 : i32
    %and3A_244 = arith.andi %ne3A_240, %ne3A_243 : i1
    %sub3A_245 = arith.constant 1 : i32
    %sub3A_246 = arith.subi %div3A_225, %sub3A_245 : i32
    %select_n3A_247 = arith.select %and3A_244, %sub3A_246, %div3A_225 : i32
    %jit3A_248 = arith.constant 4096 : i32
    %eq3A_249 = arith.constant 0 : i32
    %eq3A_250 = arith.cmpi eq, %jit3A_248, %eq3A_249 : i32
    %jit3A_251 = arith.constant 1 : i32
    %select_n3A_252 = arith.select %eq3A_250, %jit3A_251, %jit3A_248 : i32
    %rem3A_253 = arith.remsi %add3A_223, %select_n3A_252 : i32
    %ne3A_254 = arith.constant 0 : i32
    %ne3A_255 = arith.cmpi ne, %rem3A_253, %ne3A_254 : i32
    %lt3A_256 = arith.constant 0 : i32
    %lt3A_257 = arith.cmpi slt, %rem3A_253, %lt3A_256 : i32
    %lt3A_258 = arith.constant 0 : i32
    %lt3A_259 = arith.cmpi slt, %select_n3A_252, %lt3A_258 : i32
    %ne3A_260 = arith.xori %lt3A_257, %lt3A_259 : i1
    %and3A_261 = arith.andi %ne3A_260, %ne3A_255 : i1
    %add3A_262 = arith.addi %rem3A_253, %select_n3A_252 : i32
    %select_n3A_263 = arith.select %and3A_261, %add3A_262, %rem3A_253 : i32
    %dma_wait3A_264 = arith.constant 0 : i32
    %dma_wait3A_265 = arith.constant 0 : i32
    %dma_wait3A_266 = arith.constant 0 : i32
    %dma_wait3A_267 = arith.constant 0 : i32
    %dma_wait3A_268 = tpu.memref_slice %arg10[%dma_wait3A_264, %dma_wait3A_265, %dma_wait3A_266, %dma_wait3A_267] : memref<4x2x64x64xf32, #tpu.memory_space<vmem>> -> memref<1x1x64x64xf32, #tpu.memory_space<vmem>>
    %dma_wait3A_269 = tpu.memref_squeeze %dma_wait3A_268 : memref<1x1x64x64xf32, #tpu.memory_space<vmem>> -> memref<64x64xf32, #tpu.memory_space<vmem>>
    %dma_wait3A_270 = arith.constant 0 : i32
    %dma_wait3A_271 = tpu.memref_slice %arg6[%select_n3A_247, %select_n3A_263, %dma_wait3A_270] : memref<15x4096x128xf32, #tpu.memory_space<hbm>> -> memref<1x64x64xf32, #tpu.memory_space<hbm>>
    %dma_wait3A_272 = tpu.memref_squeeze %dma_wait3A_271 : memref<1x64x64xf32, #tpu.memory_space<hbm>> -> memref<64x64xf32, #tpu.memory_space<hbm>>
    %dma_wait3A_273 = arith.constant 0 : i32
    %dma_wait3A_274 = tpu.memref_slice %arg6[%select_n3A_247, %select_n3A_263, %dma_wait3A_273] : memref<15x4096x128xf32, #tpu.memory_space<hbm>> -> memref<1x64x64xf32, #tpu.memory_space<hbm>>
    %dma_wait3A_275 = tpu.memref_squeeze %dma_wait3A_274 : memref<1x64x64xf32, #tpu.memory_space<hbm>> -> memref<64x64xf32, #tpu.memory_space<hbm>>
    %dma_wait3A_276 = arith.constant 0 : i32
    %dma_wait3A_277 = arith.constant 0 : i32
    %dma_wait3A_278 = tpu.memref_slice %arg10[%dma_wait3A_264, %dma_wait3A_265, %dma_wait3A_276, %dma_wait3A_277] : memref<4x2x64x64xf32, #tpu.memory_space<vmem>> -> memref<1x1x64x64xf32, #tpu.memory_space<vmem>>
    %dma_wait3A_279 = tpu.memref_squeeze %dma_wait3A_278 : memref<1x1x64x64xf32, #tpu.memory_space<vmem>> -> memref<64x64xf32, #tpu.memory_space<vmem>>
    tpu.wait_dma2 semaphore(%arg17 : memref<!tpu.dma_semaphore, #tpu.memory_space<semaphore_mem>>) src(%dma_wait3A_279 : memref<64x64xf32, #tpu.memory_space<vmem>>) dst(%dma_wait3A_275 : memref<64x64xf32, #tpu.memory_space<hbm>>)
    %dma_wait3A_280 = arith.constant 0 : i32
    %dma_wait3A_281 = arith.constant 1 : i32
    %dma_wait3A_282 = arith.constant 0 : i32
    %dma_wait3A_283 = arith.constant 0 : i32
    %dma_wait3A_284 = tpu.memref_slice %arg10[%dma_wait3A_280, %dma_wait3A_281, %dma_wait3A_282, %dma_wait3A_283] : memref<4x2x64x64xf32, #tpu.memory_space<vmem>> -> memref<1x1x64x64xf32, #tpu.memory_space<vmem>>
    %dma_wait3A_285 = tpu.memref_squeeze %dma_wait3A_284 : memref<1x1x64x64xf32, #tpu.memory_space<vmem>> -> memref<64x64xf32, #tpu.memory_space<vmem>>
    %dma_wait3A_286 = arith.constant 64 : i32
    %dma_wait3A_287 = tpu.memref_slice %arg6[%select_n3A_247, %select_n3A_263, %dma_wait3A_286] : memref<15x4096x128xf32, #tpu.memory_space<hbm>> -> memref<1x64x64xf32, #tpu.memory_space<hbm>>
    %dma_wait3A_288 = tpu.memref_squeeze %dma_wait3A_287 : memref<1x64x64xf32, #tpu.memory_space<hbm>> -> memref<64x64xf32, #tpu.memory_space<hbm>>
    %dma_wait3A_289 = arith.constant 64 : i32
    %dma_wait3A_290 = tpu.memref_slice %arg6[%select_n3A_247, %select_n3A_263, %dma_wait3A_289] : memref<15x4096x128xf32, #tpu.memory_space<hbm>> -> memref<1x64x64xf32, #tpu.memory_space<hbm>>
    %dma_wait3A_291 = tpu.memref_squeeze %dma_wait3A_290 : memref<1x64x64xf32, #tpu.memory_space<hbm>> -> memref<64x64xf32, #tpu.memory_space<hbm>>
    %dma_wait3A_292 = arith.constant 0 : i32
    %dma_wait3A_293 = arith.constant 0 : i32
    %dma_wait3A_294 = tpu.memref_slice %arg10[%dma_wait3A_280, %dma_wait3A_281, %dma_wait3A_292, %dma_wait3A_293] : memref<4x2x64x64xf32, #tpu.memory_space<vmem>> -> memref<1x1x64x64xf32, #tpu.memory_space<vmem>>
    %dma_wait3A_295 = tpu.memref_squeeze %dma_wait3A_294 : memref<1x1x64x64xf32, #tpu.memory_space<vmem>> -> memref<64x64xf32, #tpu.memory_space<vmem>>
    tpu.wait_dma2 semaphore(%arg17 : memref<!tpu.dma_semaphore, #tpu.memory_space<semaphore_mem>>) src(%dma_wait3A_295 : memref<64x64xf32, #tpu.memory_space<vmem>>) dst(%dma_wait3A_291 : memref<64x64xf32, #tpu.memory_space<hbm>>)
    %add3A_296 = arith.constant 1856 : i32
    %add3A_297 = arith.addi %mul3A_2, %add3A_296 : i32
    %jit3A_298 = arith.constant 4096 : i32
    %div3A_299 = arith.divsi %add3A_297, %jit3A_298 : i32
    %sign3A_300 = arith.constant 0 : i32
    %sign3A_301 = arith.cmpi sgt, %add3A_297, %sign3A_300 : i32
    %sign3A_302 = arith.extui %sign3A_301 : i1 to i32
    %sign3A_303 = arith.constant 0 : i32
    %sign3A_304 = arith.cmpi slt, %add3A_297, %sign3A_303 : i32
    %sign3A_305 = arith.extui %sign3A_304 : i1 to i32
    %sign3A_306 = arith.subi %sign3A_302, %sign3A_305 : i32
    %sign3A_307 = arith.constant 0 : i32
    %sign3A_308 = arith.cmpi sgt, %jit3A_298, %sign3A_307 : i32
    %sign3A_309 = arith.extui %sign3A_308 : i1 to i32
    %sign3A_310 = arith.constant 0 : i32
    %sign3A_311 = arith.cmpi slt, %jit3A_298, %sign3A_310 : i32
    %sign3A_312 = arith.extui %sign3A_311 : i1 to i32
    %sign3A_313 = arith.subi %sign3A_309, %sign3A_312 : i32
    %ne3A_314 = arith.cmpi ne, %sign3A_306, %sign3A_313 : i32
    %rem3A_315 = arith.remsi %add3A_297, %jit3A_298 : i32
    %ne3A_316 = arith.constant 0 : i32
    %ne3A_317 = arith.cmpi ne, %rem3A_315, %ne3A_316 : i32
    %and3A_318 = arith.andi %ne3A_314, %ne3A_317 : i1
    %sub3A_319 = arith.constant 1 : i32
    %sub3A_320 = arith.subi %div3A_299, %sub3A_319 : i32
    %select_n3A_321 = arith.select %and3A_318, %sub3A_320, %div3A_299 : i32
    %jit3A_322 = arith.constant 4096 : i32
    %eq3A_323 = arith.constant 0 : i32
    %eq3A_324 = arith.cmpi eq, %jit3A_322, %eq3A_323 : i32
    %jit3A_325 = arith.constant 1 : i32
    %select_n3A_326 = arith.select %eq3A_324, %jit3A_325, %jit3A_322 : i32
    %rem3A_327 = arith.remsi %add3A_297, %select_n3A_326 : i32
    %ne3A_328 = arith.constant 0 : i32
    %ne3A_329 = arith.cmpi ne, %rem3A_327, %ne3A_328 : i32
    %lt3A_330 = arith.constant 0 : i32
    %lt3A_331 = arith.cmpi slt, %rem3A_327, %lt3A_330 : i32
    %lt3A_332 = arith.constant 0 : i32
    %lt3A_333 = arith.cmpi slt, %select_n3A_326, %lt3A_332 : i32
    %ne3A_334 = arith.xori %lt3A_331, %lt3A_333 : i1
    %and3A_335 = arith.andi %ne3A_334, %ne3A_329 : i1
    %add3A_336 = arith.addi %rem3A_327, %select_n3A_326 : i32
    %select_n3A_337 = arith.select %and3A_335, %add3A_336, %rem3A_327 : i32
    %dma_wait3A_338 = arith.constant 1 : i32
    %dma_wait3A_339 = arith.constant 0 : i32
    %dma_wait3A_340 = arith.constant 0 : i32
    %dma_wait3A_341 = arith.constant 0 : i32
    %dma_wait3A_342 = tpu.memref_slice %arg10[%dma_wait3A_338, %dma_wait3A_339, %dma_wait3A_340, %dma_wait3A_341] : memref<4x2x64x64xf32, #tpu.memory_space<vmem>> -> memref<1x1x64x64xf32, #tpu.memory_space<vmem>>
    %dma_wait3A_343 = tpu.memref_squeeze %dma_wait3A_342 : memref<1x1x64x64xf32, #tpu.memory_space<vmem>> -> memref<64x64xf32, #tpu.memory_space<vmem>>
    %dma_wait3A_344 = arith.constant 0 : i32
    %dma_wait3A_345 = tpu.memref_slice %arg6[%select_n3A_321, %select_n3A_337, %dma_wait3A_344] : memref<15x4096x128xf32, #tpu.memory_space<hbm>> -> memref<1x64x64xf32, #tpu.memory_space<hbm>>
    %dma_wait3A_346 = tpu.memref_squeeze %dma_wait3A_345 : memref<1x64x64xf32, #tpu.memory_space<hbm>> -> memref<64x64xf32, #tpu.memory_space<hbm>>
    %dma_wait3A_347 = arith.constant 0 : i32
    %dma_wait3A_348 = tpu.memref_slice %arg6[%select_n3A_321, %select_n3A_337, %dma_wait3A_347] : memref<15x4096x128xf32, #tpu.memory_space<hbm>> -> memref<1x64x64xf32, #tpu.memory_space<hbm>>
    %dma_wait3A_349 = tpu.memref_squeeze %dma_wait3A_348 : memref<1x64x64xf32, #tpu.memory_space<hbm>> -> memref<64x64xf32, #tpu.memory_space<hbm>>
    %dma_wait3A_350 = arith.constant 0 : i32
    %dma_wait3A_351 = arith.constant 0 : i32
    %dma_wait3A_352 = tpu.memref_slice %arg10[%dma_wait3A_338, %dma_wait3A_339, %dma_wait3A_350, %dma_wait3A_351] : memref<4x2x64x64xf32, #tpu.memory_space<vmem>> -> memref<1x1x64x64xf32, #tpu.memory_space<vmem>>
    %dma_wait3A_353 = tpu.memref_squeeze %dma_wait3A_352 : memref<1x1x64x64xf32, #tpu.memory_space<vmem>> -> memref<64x64xf32, #tpu.memory_space<vmem>>
    tpu.wait_dma2 semaphore(%arg18 : memref<!tpu.dma_semaphore, #tpu.memory_space<semaphore_mem>>) src(%dma_wait3A_353 : memref<64x64xf32, #tpu.memory_space<vmem>>) dst(%dma_wait3A_349 : memref<64x64xf32, #tpu.memory_space<hbm>>)
    %dma_wait3A_354 = arith.constant 1 : i32
    %dma_wait3A_355 = arith.constant 1 : i32
    %dma_wait3A_356 = arith.constant 0 : i32
    %dma_wait3A_357 = arith.constant 0 : i32
    %dma_wait3A_358 = tpu.memref_slice %arg10[%dma_wait3A_354, %dma_wait3A_355, %dma_wait3A_356, %dma_wait3A_357] : memref<4x2x64x64xf32, #tpu.memory_space<vmem>> -> memref<1x1x64x64xf32, #tpu.memory_space<vmem>>
    %dma_wait3A_359 = tpu.memref_squeeze %dma_wait3A_358 : memref<1x1x64x64xf32, #tpu.memory_space<vmem>> -> memref<64x64xf32, #tpu.memory_space<vmem>>
    %dma_wait3A_360 = arith.constant 64 : i32
    %dma_wait3A_361 = tpu.memref_slice %arg6[%select_n3A_321, %select_n3A_337, %dma_wait3A_360] : memref<15x4096x128xf32, #tpu.memory_space<hbm>> -> memref<1x64x64xf32, #tpu.memory_space<hbm>>
    %dma_wait3A_362 = tpu.memref_squeeze %dma_wait3A_361 : memref<1x64x64xf32, #tpu.memory_space<hbm>> -> memref<64x64xf32, #tpu.memory_space<hbm>>
    %dma_wait3A_363 = arith.constant 64 : i32
    %dma_wait3A_364 = tpu.memref_slice %arg6[%select_n3A_321, %select_n3A_337, %dma_wait3A_363] : memref<15x4096x128xf32, #tpu.memory_space<hbm>> -> memref<1x64x64xf32, #tpu.memory_space<hbm>>
    %dma_wait3A_365 = tpu.memref_squeeze %dma_wait3A_364 : memref<1x64x64xf32, #tpu.memory_space<hbm>> -> memref<64x64xf32, #tpu.memory_space<hbm>>
    %dma_wait3A_366 = arith.constant 0 : i32
    %dma_wait3A_367 = arith.constant 0 : i32
    %dma_wait3A_368 = tpu.memref_slice %arg10[%dma_wait3A_354, %dma_wait3A_355, %dma_wait3A_366, %dma_wait3A_367] : memref<4x2x64x64xf32, #tpu.memory_space<vmem>> -> memref<1x1x64x64xf32, #tpu.memory_space<vmem>>
    %dma_wait3A_369 = tpu.memref_squeeze %dma_wait3A_368 : memref<1x1x64x64xf32, #tpu.memory_space<vmem>> -> memref<64x64xf32, #tpu.memory_space<vmem>>
    tpu.wait_dma2 semaphore(%arg18 : memref<!tpu.dma_semaphore, #tpu.memory_space<semaphore_mem>>) src(%dma_wait3A_369 : memref<64x64xf32, #tpu.memory_space<vmem>>) dst(%dma_wait3A_365 : memref<64x64xf32, #tpu.memory_space<hbm>>)
    %broadcast_in_dim3A = arith.constant 0.000000e+00 : f32
    %broadcast_in_dim3A_370 = vector.broadcast %broadcast_in_dim3A : f32 to vector<16xf32>
    %swap3A = arith.constant 0 : index
    %swap3A_371 = tpu.vector_load %arg11[%swap3A] {strides = array<i32>} : memref<128xf32, #tpu.memory_space<vmem>>, vector<16xf32>,
    tpu.vector_store %arg11[%swap3A], %broadcast_in_dim3A_370 {strides = array<i32>} : memref<128xf32, #tpu.memory_space<vmem>>, vector<16xf32>,
    %broadcast_in_dim3A_372 = arith.constant 0.000000e+00 : f32
    %broadcast_in_dim3A_373 = vector.broadcast %broadcast_in_dim3A_372 : f32 to vector<16xf32>
    %swap3A_374 = arith.constant 16 : index
    %swap3A_375 = tpu.vector_load %arg11[%swap3A_374] {strides = array<i32>} : memref<128xf32, #tpu.memory_space<vmem>>, vector<16xf32>,
    tpu.vector_store %arg11[%swap3A_374], %broadcast_in_dim3A_373 {strides = array<i32>} : memref<128xf32, #tpu.memory_space<vmem>>, vector<16xf32>,
    %broadcast_in_dim3A_376 = arith.constant 0.000000e+00 : f32
    %broadcast_in_dim3A_377 = vector.broadcast %broadcast_in_dim3A_376 : f32 to vector<16xf32>
    %swap3A_378 = arith.constant 32 : index
    %swap3A_379 = tpu.vector_load %arg11[%swap3A_378] {strides = array<i32>} : memref<128xf32, #tpu.memory_space<vmem>>, vector<16xf32>,
    tpu.vector_store %arg11[%swap3A_378], %broadcast_in_dim3A_377 {strides = array<i32>} : memref<128xf32, #tpu.memory_space<vmem>>, vector<16xf32>,
    %broadcast_in_dim3A_380 = arith.constant 0.000000e+00 : f32
    %broadcast_in_dim3A_381 = vector.broadcast %broadcast_in_dim3A_380 : f32 to vector<16xf32>
    %swap3A_382 = arith.constant 48 : index
    %swap3A_383 = tpu.vector_load %arg11[%swap3A_382] {strides = array<i32>} : memref<128xf32, #tpu.memory_space<vmem>>, vector<16xf32>,
    tpu.vector_store %arg11[%swap3A_382], %broadcast_in_dim3A_381 {strides = array<i32>} : memref<128xf32, #tpu.memory_space<vmem>>, vector<16xf32>,
    %broadcast_in_dim3A_384 = arith.constant 0.000000e+00 : f32
    %broadcast_in_dim3A_385 = vector.broadcast %broadcast_in_dim3A_384 : f32 to vector<16xf32>
    %swap3A_386 = arith.constant 64 : index
    %swap3A_387 = tpu.vector_load %arg11[%swap3A_386] {strides = array<i32>} : memref<128xf32, #tpu.memory_space<vmem>>, vector<16xf32>,
    tpu.vector_store %arg11[%swap3A_386], %broadcast_in_dim3A_385 {strides = array<i32>} : memref<128xf32, #tpu.memory_space<vmem>>, vector<16xf32>,
    %broadcast_in_dim3A_388 = arith.constant 0.000000e+00 : f32
    %broadcast_in_dim3A_389 = vector.broadcast %broadcast_in_dim3A_388 : f32 to vector<16xf32>
    %swap3A_390 = arith.constant 80 : index
    %swap3A_391 = tpu.vector_load %arg11[%swap3A_390] {strides = array<i32>} : memref<128xf32, #tpu.memory_space<vmem>>, vector<16xf32>,
    tpu.vector_store %arg11[%swap3A_390], %broadcast_in_dim3A_389 {strides = array<i32>} : memref<128xf32, #tpu.memory_space<vmem>>, vector<16xf32>,
    %broadcast_in_dim3A_392 = arith.constant 0.000000e+00 : f32
    %broadcast_in_dim3A_393 = vector.broadcast %broadcast_in_dim3A_392 : f32 to vector<16xf32>
    %swap3A_394 = arith.constant 96 : index
    %swap3A_395 = tpu.vector_load %arg11[%swap3A_394] {strides = array<i32>} : memref<128xf32, #tpu.memory_space<vmem>>, vector<16xf32>,
    tpu.vector_store %arg11[%swap3A_394], %broadcast_in_dim3A_393 {strides = array<i32>} : memref<128xf32, #tpu.memory_space<vmem>>, vector<16xf32>,
    %broadcast_in_dim3A_396 = arith.constant 0.000000e+00 : f32
    %broadcast_in_dim3A_397 = vector.broadcast %broadcast_in_dim3A_396 : f32 to vector<16xf32>
    %swap3A_398 = arith.constant 112 : index
    %swap3A_399 = tpu.vector_load %arg11[%swap3A_398] {strides = array<i32>} : memref<128xf32, #tpu.memory_space<vmem>>, vector<16xf32>,
    tpu.vector_store %arg11[%swap3A_398], %broadcast_in_dim3A_397 {strides = array<i32>} : memref<128xf32, #tpu.memory_space<vmem>>, vector<16xf32>,
    %scan3A_400 = arith.constant 0 : i32
    %scan3A_401 = arith.constant 0 : i32
    %scan3A_402 = arith.constant 30 : i32
    %scan3A_403 = arith.addi %scan3A_401, %scan3A_402 : i32
    %scan3A_404 = arith.constant 1 : i32
    scf.for %scan3A_408 = %scan3A_401 to %scan3A_403 step %scan3A_404  : i32 {
      %scan3A_409 = arith.constant 0 : i32
      %scan3A_410 = arith.constant 8 : i32
      %scan3A_411 = arith.addi %scan3A_409, %scan3A_410 : i32
      %scan3A_412 = arith.constant 1 : i32
      scf.for %scan3A_414 = %scan3A_409 to %scan3A_411 step %scan3A_412  : i32 {
        %mul3A_415 = arith.constant 128 : i32
        %mul3A_416 = arith.muli %scan3A_408, %mul3A_415 : i32
        %mul3A_417 = arith.constant 16 : i32
        %mul3A_418 = arith.muli %scan3A_414, %mul3A_417 : i32
        %add3A_419 = arith.addi %mul3A_416, %mul3A_418 : i32
        %jit3A_420 = arith.constant 128 : i32
        %div3A_421 = arith.divsi %add3A_419, %jit3A_420 : i32
        %sign3A_422 = arith.constant 0 : i32
        %sign3A_423 = arith.cmpi sgt, %add3A_419, %sign3A_422 : i32
        %sign3A_424 = arith.extui %sign3A_423 : i1 to i32
        %sign3A_425 = arith.constant 0 : i32
        %sign3A_426 = arith.cmpi slt, %add3A_419, %sign3A_425 : i32
        %sign3A_427 = arith.extui %sign3A_426 : i1 to i32
        %sign3A_428 = arith.subi %sign3A_424, %sign3A_427 : i32
        %sign3A_429 = arith.constant 0 : i32
        %sign3A_430 = arith.cmpi sgt, %jit3A_420, %sign3A_429 : i32
        %sign3A_431 = arith.extui %sign3A_430 : i1 to i32
        %sign3A_432 = arith.constant 0 : i32
        %sign3A_433 = arith.cmpi slt, %jit3A_420, %sign3A_432 : i32
        %sign3A_434 = arith.extui %sign3A_433 : i1 to i32
        %sign3A_435 = arith.subi %sign3A_431, %sign3A_434 : i32
        %ne3A_436 = arith.cmpi ne, %sign3A_428, %sign3A_435 : i32
        %rem3A_437 = arith.remsi %add3A_419, %jit3A_420 : i32
        %ne3A_438 = arith.constant 0 : i32
        %ne3A_439 = arith.cmpi ne, %rem3A_437, %ne3A_438 : i32
        %and3A_440 = arith.andi %ne3A_436, %ne3A_439 : i1
        %sub3A_441 = arith.constant 1 : i32
        %sub3A_442 = arith.subi %div3A_421, %sub3A_441 : i32
        %select_n3A_443 = arith.select %and3A_440, %sub3A_442, %div3A_421 : i32
        %jit3A_444 = arith.constant 128 : i32
        %eq3A_445 = arith.constant 0 : i32
        %eq3A_446 = arith.cmpi eq, %jit3A_444, %eq3A_445 : i32
        %jit3A_447 = arith.constant 1 : i32
        %select_n3A_448 = arith.select %eq3A_446, %jit3A_447, %jit3A_444 : i32
        %rem3A_449 = arith.remsi %add3A_419, %select_n3A_448 : i32
        %ne3A_450 = arith.constant 0 : i32
        %ne3A_451 = arith.cmpi ne, %rem3A_449, %ne3A_450 : i32
        %lt3A_452 = arith.constant 0 : i32
        %lt3A_453 = arith.cmpi slt, %rem3A_449, %lt3A_452 : i32
        %lt3A_454 = arith.constant 0 : i32
        %lt3A_455 = arith.cmpi slt, %select_n3A_448, %lt3A_454 : i32
        %ne3A_456 = arith.xori %lt3A_453, %lt3A_455 : i1
        %and3A_457 = arith.andi %ne3A_456, %ne3A_451 : i1
        %add3A_458 = arith.addi %rem3A_449, %select_n3A_448 : i32
        %select_n3A_459 = arith.select %and3A_457, %add3A_458, %rem3A_449 : i32
        %get3A = arith.index_cast %select_n3A_443 : i32 to index
        %get3A_460 = arith.index_cast %select_n3A_459 : i32 to index
        %get3A_461 = tpu.vector_load %arg9[%get3A, %get3A_460] {strides = array<i32>} : memref<32x128xi32, #tpu.memory_space<vmem>>, vector<16xi32>,
        %gather3A = tpu.vector_load_idx %arg12[%get3A_461] : memref<30000xf32, #tpu.memory_space<vmem>>[vector<16xi32>], vector<16xf32>,
        %mul3A_462 = arith.constant 16 : i32
        %mul3A_463 = arith.muli %scan3A_414, %mul3A_462 : i32
        %get3A_464 = arith.index_cast %mul3A_463 : i32 to index
        %get3A_465 = tpu.vector_load %arg11[%get3A_464] {strides = array<i32>} : memref<128xf32, #tpu.memory_space<vmem>>, vector<16xf32>,
        %add3A_466 = arith.addf %get3A_465, %gather3A : vector<16xf32>
        %mul3A_467 = arith.constant 16 : i32
        %mul3A_468 = arith.muli %scan3A_414, %mul3A_467 : i32
        %swap3A_469 = arith.index_cast %mul3A_468 : i32 to index
        %swap3A_470 = tpu.vector_load %arg11[%swap3A_469] {strides = array<i32>} : memref<128xf32, #tpu.memory_space<vmem>>, vector<16xf32>,
        tpu.vector_store %arg11[%swap3A_469], %add3A_466 {strides = array<i32>} : memref<128xf32, #tpu.memory_space<vmem>>, vector<16xf32>,
      }
      %scan3A_413 = arith.constant 8 : i32
    }
    %scan3A_405 = arith.constant 30 : i32
    %mul3A_406 = arith.constant 128 : i32
    %mul3A_407 = arith.muli %add3A, %mul3A_406 : i32
    "tpu.region"() ({
      %run_scoped3A = tpu.sem_alloc : memref<!tpu.dma_semaphore, #tpu.memory_space<semaphore_mem>>
      %dma_start3A_408 = tpu.memref_slice %arg7[%mul3A_407] : memref<4096xf32, #tpu.memory_space<hbm>> -> memref<128xf32, #tpu.memory_space<hbm>>
      %dma_start3A_409 = tpu.memref_slice %arg7[%mul3A_407] : memref<4096xf32, #tpu.memory_space<hbm>> -> memref<128xf32, #tpu.memory_space<hbm>>
      tpu.enqueue_dma source(%arg11 : memref<128xf32, #tpu.memory_space<vmem>>) target(%dma_start3A_409 : memref<128xf32, #tpu.memory_space<hbm>>) target_semaphore(%run_scoped3A : memref<!tpu.dma_semaphore, #tpu.memory_space<semaphore_mem>>)
      %dma_wait3A_410 = tpu.memref_slice %arg7[%mul3A_407] : memref<4096xf32, #tpu.memory_space<hbm>> -> memref<128xf32, #tpu.memory_space<hbm>>
      %dma_wait3A_411 = tpu.memref_slice %arg7[%mul3A_407] : memref<4096xf32, #tpu.memory_space<hbm>> -> memref<128xf32, #tpu.memory_space<hbm>>
      tpu.wait_dma2 semaphore(%run_scoped3A : memref<!tpu.dma_semaphore, #tpu.memory_space<semaphore_mem>>) src(%arg11 : memref<128xf32, #tpu.memory_space<vmem>>) dst(%dma_wait3A_411 : memref<128xf32, #tpu.memory_space<hbm>>)
      tpu.yield
    }) : () -> ()
    return
  }
}

module attributes {stable_mosaic.version = 14 : i64} {
  func.func @_mlp_body(%arg0: i32, %arg1: memref<15x1024x128xf32, #tpu.memory_space<vmem>>, %arg2: memref<1024xf32, #tpu.memory_space<vmem>>, %arg3: memref<1920x512xbf16, #tpu.memory_space<vmem>>, %arg4: memref<1x512xf32, #tpu.memory_space<vmem>>, %arg5: memref<1x512xf32, #tpu.memory_space<vmem>>, %arg6: memref<1x512xf32, #tpu.memory_space<vmem>>, %arg7: memref<512x256xbf16, #tpu.memory_space<vmem>>, %arg8: memref<1x256xf32, #tpu.memory_space<vmem>>, %arg9: memref<1x256xf32, #tpu.memory_space<vmem>>, %arg10: memref<1x256xf32, #tpu.memory_space<vmem>>, %arg11: memref<256x128xbf16, #tpu.memory_space<vmem>>, %arg12: memref<1x128xf32, #tpu.memory_space<vmem>>, %arg13: memref<1x128xf32, #tpu.memory_space<vmem>>, %arg14: memref<1x128xf32, #tpu.memory_space<vmem>>, %arg15: memref<128x1xbf16, #tpu.memory_space<vmem>>, %arg16: memref<1x1xf32, #tpu.memory_space<vmem>>, %arg17: memref<1024xf32, #tpu.memory_space<vmem>>) attributes {dimension_semantics = [#tpu.dimension_semantics<arbitrary>], iteration_bounds = array<i64: 4>, scalar_prefetch = 0 : i64, scratch_operands = 0 : i64, tpu.core_type = #tpu.core_type<tc>, window_params = [{transform_indices = @transform_0, window_bounds = array<i64: 15, 1024, 128>}, {transform_indices = @transform_1, window_bounds = array<i64: 1024>}, {pipeline_mode = #tpu.pipeline_mode<synchronous>, transform_indices = @transform_2, window_bounds = array<i64: 1920, 512>}, {pipeline_mode = #tpu.pipeline_mode<synchronous>, transform_indices = @transform_3, window_bounds = array<i64: 1, 512>}, {pipeline_mode = #tpu.pipeline_mode<synchronous>, transform_indices = @transform_4, window_bounds = array<i64: 1, 512>}, {pipeline_mode = #tpu.pipeline_mode<synchronous>, transform_indices = @transform_5, window_bounds = array<i64: 1, 512>}, {pipeline_mode = #tpu.pipeline_mode<synchronous>, transform_indices = @transform_6, window_bounds = array<i64: 512, 256>}, {pipeline_mode = #tpu.pipeline_mode<synchronous>, transform_indices = @transform_7, window_bounds = array<i64: 1, 256>}, {pipeline_mode = #tpu.pipeline_mode<synchronous>, transform_indices = @transform_8, window_bounds = array<i64: 1, 256>}, {pipeline_mode = #tpu.pipeline_mode<synchronous>, transform_indices = @transform_9, window_bounds = array<i64: 1, 256>}, {pipeline_mode = #tpu.pipeline_mode<synchronous>, transform_indices = @transform_10, window_bounds = array<i64: 256, 128>}, {pipeline_mode = #tpu.pipeline_mode<synchronous>, transform_indices = @transform_11, window_bounds = array<i64: 1, 128>}, {pipeline_mode = #tpu.pipeline_mode<synchronous>, transform_indices = @transform_12, window_bounds = array<i64: 1, 128>}, {pipeline_mode = #tpu.pipeline_mode<synchronous>, transform_indices = @transform_13, window_bounds = array<i64: 1, 128>}, {pipeline_mode = #tpu.pipeline_mode<synchronous>, transform_indices = @transform_14, window_bounds = array<i64: 128, 1>}, {pipeline_mode = #tpu.pipeline_mode<synchronous>, transform_indices = @transform_15, window_bounds = array<i64: 1, 1>}, {transform_indices = @transform_16, window_bounds = array<i64: 1024>}]} {
    %get3A = arith.constant 0 : index
    %get3A_0 = arith.constant 0 : index
    %get3A_1 = arith.constant 0 : index
    %get3A_2 = vector.load %arg1[%get3A, %get3A_0, %get3A_1] : memref<15x1024x128xf32, #tpu.memory_space<vmem>>, vector<1x1024x128xf32>
    %get3A_3 = vector.shape_cast %get3A_2 : vector<1x1024x128xf32> to vector<1024x128xf32>
    %get3A_4 = arith.constant 1 : index
    %get3A_5 = arith.constant 0 : index
    %get3A_6 = arith.constant 0 : index
    %get3A_7 = vector.load %arg1[%get3A_4, %get3A_5, %get3A_6] : memref<15x1024x128xf32, #tpu.memory_space<vmem>>, vector<1x1024x128xf32>
    %get3A_8 = vector.shape_cast %get3A_7 : vector<1x1024x128xf32> to vector<1024x128xf32>
    %get3A_9 = arith.constant 2 : index
    %get3A_10 = arith.constant 0 : index
    %get3A_11 = arith.constant 0 : index
    %get3A_12 = vector.load %arg1[%get3A_9, %get3A_10, %get3A_11] : memref<15x1024x128xf32, #tpu.memory_space<vmem>>, vector<1x1024x128xf32>
    %get3A_13 = vector.shape_cast %get3A_12 : vector<1x1024x128xf32> to vector<1024x128xf32>
    %get3A_14 = arith.constant 3 : index
    %get3A_15 = arith.constant 0 : index
    %get3A_16 = arith.constant 0 : index
    %get3A_17 = vector.load %arg1[%get3A_14, %get3A_15, %get3A_16] : memref<15x1024x128xf32, #tpu.memory_space<vmem>>, vector<1x1024x128xf32>
    %get3A_18 = vector.shape_cast %get3A_17 : vector<1x1024x128xf32> to vector<1024x128xf32>
    %get3A_19 = arith.constant 4 : index
    %get3A_20 = arith.constant 0 : index
    %get3A_21 = arith.constant 0 : index
    %get3A_22 = vector.load %arg1[%get3A_19, %get3A_20, %get3A_21] : memref<15x1024x128xf32, #tpu.memory_space<vmem>>, vector<1x1024x128xf32>
    %get3A_23 = vector.shape_cast %get3A_22 : vector<1x1024x128xf32> to vector<1024x128xf32>
    %get3A_24 = arith.constant 5 : index
    %get3A_25 = arith.constant 0 : index
    %get3A_26 = arith.constant 0 : index
    %get3A_27 = vector.load %arg1[%get3A_24, %get3A_25, %get3A_26] : memref<15x1024x128xf32, #tpu.memory_space<vmem>>, vector<1x1024x128xf32>
    %get3A_28 = vector.shape_cast %get3A_27 : vector<1x1024x128xf32> to vector<1024x128xf32>
    %get3A_29 = arith.constant 6 : index
    %get3A_30 = arith.constant 0 : index
    %get3A_31 = arith.constant 0 : index
    %get3A_32 = vector.load %arg1[%get3A_29, %get3A_30, %get3A_31] : memref<15x1024x128xf32, #tpu.memory_space<vmem>>, vector<1x1024x128xf32>
    %get3A_33 = vector.shape_cast %get3A_32 : vector<1x1024x128xf32> to vector<1024x128xf32>
    %get3A_34 = arith.constant 7 : index
    %get3A_35 = arith.constant 0 : index
    %get3A_36 = arith.constant 0 : index
    %get3A_37 = vector.load %arg1[%get3A_34, %get3A_35, %get3A_36] : memref<15x1024x128xf32, #tpu.memory_space<vmem>>, vector<1x1024x128xf32>
    %get3A_38 = vector.shape_cast %get3A_37 : vector<1x1024x128xf32> to vector<1024x128xf32>
    %get3A_39 = arith.constant 8 : index
    %get3A_40 = arith.constant 0 : index
    %get3A_41 = arith.constant 0 : index
    %get3A_42 = vector.load %arg1[%get3A_39, %get3A_40, %get3A_41] : memref<15x1024x128xf32, #tpu.memory_space<vmem>>, vector<1x1024x128xf32>
    %get3A_43 = vector.shape_cast %get3A_42 : vector<1x1024x128xf32> to vector<1024x128xf32>
    %get3A_44 = arith.constant 9 : index
    %get3A_45 = arith.constant 0 : index
    %get3A_46 = arith.constant 0 : index
    %get3A_47 = vector.load %arg1[%get3A_44, %get3A_45, %get3A_46] : memref<15x1024x128xf32, #tpu.memory_space<vmem>>, vector<1x1024x128xf32>
    %get3A_48 = vector.shape_cast %get3A_47 : vector<1x1024x128xf32> to vector<1024x128xf32>
    %get3A_49 = arith.constant 10 : index
    %get3A_50 = arith.constant 0 : index
    %get3A_51 = arith.constant 0 : index
    %get3A_52 = vector.load %arg1[%get3A_49, %get3A_50, %get3A_51] : memref<15x1024x128xf32, #tpu.memory_space<vmem>>, vector<1x1024x128xf32>
    %get3A_53 = vector.shape_cast %get3A_52 : vector<1x1024x128xf32> to vector<1024x128xf32>
    %get3A_54 = arith.constant 11 : index
    %get3A_55 = arith.constant 0 : index
    %get3A_56 = arith.constant 0 : index
    %get3A_57 = vector.load %arg1[%get3A_54, %get3A_55, %get3A_56] : memref<15x1024x128xf32, #tpu.memory_space<vmem>>, vector<1x1024x128xf32>
    %get3A_58 = vector.shape_cast %get3A_57 : vector<1x1024x128xf32> to vector<1024x128xf32>
    %get3A_59 = arith.constant 12 : index
    %get3A_60 = arith.constant 0 : index
    %get3A_61 = arith.constant 0 : index
    %get3A_62 = vector.load %arg1[%get3A_59, %get3A_60, %get3A_61] : memref<15x1024x128xf32, #tpu.memory_space<vmem>>, vector<1x1024x128xf32>
    %get3A_63 = vector.shape_cast %get3A_62 : vector<1x1024x128xf32> to vector<1024x128xf32>
    %get3A_64 = arith.constant 13 : index
    %get3A_65 = arith.constant 0 : index
    %get3A_66 = arith.constant 0 : index
    %get3A_67 = vector.load %arg1[%get3A_64, %get3A_65, %get3A_66] : memref<15x1024x128xf32, #tpu.memory_space<vmem>>, vector<1x1024x128xf32>
    %get3A_68 = vector.shape_cast %get3A_67 : vector<1x1024x128xf32> to vector<1024x128xf32>
    %get3A_69 = arith.constant 14 : index
    %get3A_70 = arith.constant 0 : index
    %get3A_71 = arith.constant 0 : index
    %get3A_72 = vector.load %arg1[%get3A_69, %get3A_70, %get3A_71] : memref<15x1024x128xf32, #tpu.memory_space<vmem>>, vector<1x1024x128xf32>
    %get3A_73 = vector.shape_cast %get3A_72 : vector<1x1024x128xf32> to vector<1024x128xf32>
    %concatenate3A = tpu.concatenate %get3A_3, %get3A_8, %get3A_13, %get3A_18, %get3A_23, %get3A_28, %get3A_33, %get3A_38, %get3A_43, %get3A_48, %get3A_53, %get3A_58, %get3A_63, %get3A_68, %get3A_73 in 1 : vector<1024x128xf32>, vector<1024x128xf32>, vector<1024x128xf32>, vector<1024x128xf32>, vector<1024x128xf32>, vector<1024x128xf32>, vector<1024x128xf32>, vector<1024x128xf32>, vector<1024x128xf32>, vector<1024x128xf32>, vector<1024x128xf32>, vector<1024x128xf32>, vector<1024x128xf32>, vector<1024x128xf32>, vector<1024x128xf32> -> vector<1024x1920xf32>
    %convert_element_type3A = arith.truncf %concatenate3A : vector<1024x1920xf32> to vector<1024x1920xbf16>
    %get3A_74 = arith.constant 0 : index
    %get3A_75 = arith.constant 0 : index
    %get3A_76 = vector.load %arg3[%get3A_74, %get3A_75] : memref<1920x512xbf16, #tpu.memory_space<vmem>>, vector<1920x512xbf16>
    %dot_general3A = arith.constant dense<0.000000e+00> : vector<1024x512xf32>
    %dot_general3A_77 = tpu.matmul %convert_element_type3A, %get3A_76, %dot_general3A {dimension_numbers = #tpu.dot_dimension_numbers<[1], [0], [0], [1], [0, 0, 1, 1], [], []>, transpose_lhs_hint = false} : vector<1024x1920xbf16>, vector<1920x512xbf16>, vector<1024x512xf32> -> vector<1024x512xf32>
    %get3A_78 = arith.constant 0 : index
    %get3A_79 = arith.constant 0 : index
    %get3A_80 = vector.load %arg4[%get3A_78, %get3A_79] : memref<1x512xf32, #tpu.memory_space<vmem>>, vector<1x512xf32>
    %add3A = vector.broadcast %get3A_80 : vector<1x512xf32> to vector<1024x512xf32>
    %add3A_81 = arith.addf %dot_general3A_77, %add3A : vector<1024x512xf32>
    %get3A_82 = arith.constant 0 : index
    %get3A_83 = arith.constant 0 : index
    %get3A_84 = vector.load %arg5[%get3A_82, %get3A_83] : memref<1x512xf32, #tpu.memory_space<vmem>>, vector<1x512xf32>
    %mul3A = arith.constant 0.999994993 : f32
    %mul3A_85 = vector.broadcast %mul3A : f32 to vector<1x512xf32>
    %mul3A_86 = arith.mulf %get3A_84, %mul3A_85 : vector<1x512xf32>
    %mul3A_87 = vector.broadcast %mul3A_86 : vector<1x512xf32> to vector<1024x512xf32>
    %mul3A_88 = arith.mulf %add3A_81, %mul3A_87 : vector<1024x512xf32>
    %get3A_89 = arith.constant 0 : index
    %get3A_90 = arith.constant 0 : index
    %get3A_91 = vector.load %arg6[%get3A_89, %get3A_90] : memref<1x512xf32, #tpu.memory_space<vmem>>, vector<1x512xf32>
    %add3A_92 = vector.broadcast %get3A_91 : vector<1x512xf32> to vector<1024x512xf32>
    %add3A_93 = arith.addf %mul3A_88, %add3A_92 : vector<1024x512xf32>
    %max3A = arith.constant 0.000000e+00 : f32
    %max3A_94 = vector.broadcast %max3A : f32 to vector<1024x512xf32>
    %max3A_95 = arith.maximumf %add3A_93, %max3A_94 : vector<1024x512xf32>
    %convert_element_type3A_96 = arith.truncf %max3A_95 : vector<1024x512xf32> to vector<1024x512xbf16>
    %get3A_97 = arith.constant 0 : index
    %get3A_98 = arith.constant 0 : index
    %get3A_99 = vector.load %arg7[%get3A_97, %get3A_98] : memref<512x256xbf16, #tpu.memory_space<vmem>>, vector<512x256xbf16>
    %dot_general3A_100 = arith.constant dense<0.000000e+00> : vector<1024x256xf32>
    %dot_general3A_101 = tpu.matmul %convert_element_type3A_96, %get3A_99, %dot_general3A_100 {dimension_numbers = #tpu.dot_dimension_numbers<[1], [0], [0], [1], [0, 0, 1, 1], [], []>, transpose_lhs_hint = false} : vector<1024x512xbf16>, vector<512x256xbf16>, vector<1024x256xf32> -> vector<1024x256xf32>
    %get3A_102 = arith.constant 0 : index
    %get3A_103 = arith.constant 0 : index
    %get3A_104 = vector.load %arg8[%get3A_102, %get3A_103] : memref<1x256xf32, #tpu.memory_space<vmem>>, vector<1x256xf32>
    %add3A_105 = vector.broadcast %get3A_104 : vector<1x256xf32> to vector<1024x256xf32>
    %add3A_106 = arith.addf %dot_general3A_101, %add3A_105 : vector<1024x256xf32>
    %get3A_107 = arith.constant 0 : index
    %get3A_108 = arith.constant 0 : index
    %get3A_109 = vector.load %arg9[%get3A_107, %get3A_108] : memref<1x256xf32, #tpu.memory_space<vmem>>, vector<1x256xf32>
    %mul3A_110 = arith.constant 0.999994993 : f32
    %mul3A_111 = vector.broadcast %mul3A_110 : f32 to vector<1x256xf32>
    %mul3A_112 = arith.mulf %get3A_109, %mul3A_111 : vector<1x256xf32>
    %mul3A_113 = vector.broadcast %mul3A_112 : vector<1x256xf32> to vector<1024x256xf32>
    %mul3A_114 = arith.mulf %add3A_106, %mul3A_113 : vector<1024x256xf32>
    %get3A_115 = arith.constant 0 : index
    %get3A_116 = arith.constant 0 : index
    %get3A_117 = vector.load %arg10[%get3A_115, %get3A_116] : memref<1x256xf32, #tpu.memory_space<vmem>>, vector<1x256xf32>
    %add3A_118 = vector.broadcast %get3A_117 : vector<1x256xf32> to vector<1024x256xf32>
    %add3A_119 = arith.addf %mul3A_114, %add3A_118 : vector<1024x256xf32>
    %max3A_120 = arith.constant 0.000000e+00 : f32
    %max3A_121 = vector.broadcast %max3A_120 : f32 to vector<1024x256xf32>
    %max3A_122 = arith.maximumf %add3A_119, %max3A_121 : vector<1024x256xf32>
    %convert_element_type3A_123 = arith.truncf %max3A_122 : vector<1024x256xf32> to vector<1024x256xbf16>
    %get3A_124 = arith.constant 0 : index
    %get3A_125 = arith.constant 0 : index
    %get3A_126 = vector.load %arg11[%get3A_124, %get3A_125] : memref<256x128xbf16, #tpu.memory_space<vmem>>, vector<256x128xbf16>
    %dot_general3A_127 = arith.constant dense<0.000000e+00> : vector<1024x128xf32>
    %dot_general3A_128 = tpu.matmul %convert_element_type3A_123, %get3A_126, %dot_general3A_127 {dimension_numbers = #tpu.dot_dimension_numbers<[1], [0], [0], [1], [0, 0, 1, 1], [], []>, transpose_lhs_hint = false} : vector<1024x256xbf16>, vector<256x128xbf16>, vector<1024x128xf32> -> vector<1024x128xf32>
    %get3A_129 = arith.constant 0 : index
    %get3A_130 = arith.constant 0 : index
    %get3A_131 = vector.load %arg12[%get3A_129, %get3A_130] : memref<1x128xf32, #tpu.memory_space<vmem>>, vector<1x128xf32>
    %add3A_132 = vector.broadcast %get3A_131 : vector<1x128xf32> to vector<1024x128xf32>
    %add3A_133 = arith.addf %dot_general3A_128, %add3A_132 : vector<1024x128xf32>
    %get3A_134 = arith.constant 0 : index
    %get3A_135 = arith.constant 0 : index
    %get3A_136 = vector.load %arg13[%get3A_134, %get3A_135] : memref<1x128xf32, #tpu.memory_space<vmem>>, vector<1x128xf32>
    %mul3A_137 = arith.constant 0.999994993 : f32
    %mul3A_138 = vector.broadcast %mul3A_137 : f32 to vector<1x128xf32>
    %mul3A_139 = arith.mulf %get3A_136, %mul3A_138 : vector<1x128xf32>
    %mul3A_140 = vector.broadcast %mul3A_139 : vector<1x128xf32> to vector<1024x128xf32>
    %mul3A_141 = arith.mulf %add3A_133, %mul3A_140 : vector<1024x128xf32>
    %get3A_142 = arith.constant 0 : index
    %get3A_143 = arith.constant 0 : index
    %get3A_144 = vector.load %arg14[%get3A_142, %get3A_143] : memref<1x128xf32, #tpu.memory_space<vmem>>, vector<1x128xf32>
    %add3A_145 = vector.broadcast %get3A_144 : vector<1x128xf32> to vector<1024x128xf32>
    %add3A_146 = arith.addf %mul3A_141, %add3A_145 : vector<1024x128xf32>
    %max3A_147 = arith.constant 0.000000e+00 : f32
    %max3A_148 = vector.broadcast %max3A_147 : f32 to vector<1024x128xf32>
    %max3A_149 = arith.maximumf %add3A_146, %max3A_148 : vector<1024x128xf32>
    %convert_element_type3A_150 = arith.truncf %max3A_149 : vector<1024x128xf32> to vector<1024x128xbf16>
    %get3A_151 = arith.constant 0 : index
    %get3A_152 = arith.constant 0 : index
    %get3A_153 = vector.load %arg15[%get3A_151, %get3A_152] : memref<128x1xbf16, #tpu.memory_space<vmem>>, vector<128x1xbf16>
    %dot_general3A_154 = arith.constant dense<0.000000e+00> : vector<1024x1xf32>
    %dot_general3A_155 = tpu.matmul %convert_element_type3A_150, %get3A_153, %dot_general3A_154 {dimension_numbers = #tpu.dot_dimension_numbers<[1], [0], [0], [1], [0, 0, 1, 1], [], []>, transpose_lhs_hint = false} : vector<1024x128xbf16>, vector<128x1xbf16>, vector<1024x1xf32> -> vector<1024x1xf32>
    %squeeze3A = vector.shape_cast %dot_general3A_155 : vector<1024x1xf32> to vector<1024xf32>
    %get3A_156 = arith.constant 0 : index
    %get3A_157 = arith.constant 0 : index
    %get3A_158 = vector.load %arg16[%get3A_156, %get3A_157] : memref<1x1xf32, #tpu.memory_space<vmem>>, vector<1x1xf32>
    %get3A_159 = vector.extract %get3A_158[0, 0] : f32 from vector<1x1xf32>
    %add3A_160 = vector.broadcast %get3A_159 : f32 to vector<1024xf32>
    %add3A_161 = arith.addf %squeeze3A, %add3A_160 : vector<1024xf32>
    %get3A_162 = arith.constant 0 : index
    %get3A_163 = vector.load %arg2[%get3A_162] : memref<1024xf32, #tpu.memory_space<vmem>>, vector<1024xf32>
    %add3A_164 = arith.addf %add3A_161, %get3A_163 : vector<1024xf32>
    %neg3A = arith.constant 0.000000e+00 : f32
    %neg3A_165 = vector.broadcast %neg3A : f32 to vector<1024xf32>
    %neg3A_166 = arith.subf %neg3A_165, %add3A_164 : vector<1024xf32>
    %exp3A = math.exp %neg3A_166 : vector<1024xf32>
    %add3A_167 = arith.constant 1.000000e+00 : f32
    %add3A_168 = vector.broadcast %add3A_167 : f32 to vector<1024xf32>
    %add3A_169 = arith.addf %add3A_168, %exp3A : vector<1024xf32>
    %div3A = arith.constant 1.000000e+00 : f32
    %div3A_170 = vector.broadcast %div3A : f32 to vector<1024xf32>
    %div3A_171 = arith.divf %div3A_170, %add3A_169 : vector<1024xf32>
    %swap3A = arith.constant 0 : index
    %swap3A_172 = vector.load %arg17[%swap3A] : memref<1024xf32, #tpu.memory_space<vmem>>, vector<1024xf32>
    tpu.vector_store %arg17[%swap3A], %div3A_171 {strides = array<i32>} : memref<1024xf32, #tpu.memory_space<vmem>>, vector<1024xf32>,
    return
  }
  func.func @transform_0(%arg0: i32) -> (i32, i32, i32) {
    %c0_i32 = arith.constant 0 : i32
    %c0_i32_0 = arith.constant 0 : i32
    %c0_i32_1 = arith.constant 0 : i32
    return %c0_i32, %arg0, %c0_i32_0 : i32, i32, i32
  }
  func.func @transform_1(%arg0: i32) -> i32 {
    %c0_i32 = arith.constant 0 : i32
    return %arg0 : i32
  }
  func.func @transform_2(%arg0: i32) -> (i32, i32) {
    %c0_i32 = arith.constant 0 : i32
    %c0_i32_0 = arith.constant 0 : i32
    %c0_i32_1 = arith.constant 0 : i32
    return %c0_i32, %c0_i32_0 : i32, i32
  }
  func.func @transform_3(%arg0: i32) -> (i32, i32) {
    %c0_i32 = arith.constant 0 : i32
    %c0_i32_0 = arith.constant 0 : i32
    %c0_i32_1 = arith.constant 0 : i32
    return %c0_i32, %c0_i32_0 : i32, i32
  }
  func.func @transform_4(%arg0: i32) -> (i32, i32) {
    %c0_i32 = arith.constant 0 : i32
    %c0_i32_0 = arith.constant 0 : i32
    %c0_i32_1 = arith.constant 0 : i32
    return %c0_i32, %c0_i32_0 : i32, i32
  }
  func.func @transform_5(%arg0: i32) -> (i32, i32) {
    %c0_i32 = arith.constant 0 : i32
    %c0_i32_0 = arith.constant 0 : i32
    %c0_i32_1 = arith.constant 0 : i32
    return %c0_i32, %c0_i32_0 : i32, i32
  }
  func.func @transform_6(%arg0: i32) -> (i32, i32) {
    %c0_i32 = arith.constant 0 : i32
    %c0_i32_0 = arith.constant 0 : i32
    %c0_i32_1 = arith.constant 0 : i32
    return %c0_i32, %c0_i32_0 : i32, i32
  }
  func.func @transform_7(%arg0: i32) -> (i32, i32) {
    %c0_i32 = arith.constant 0 : i32
    %c0_i32_0 = arith.constant 0 : i32
    %c0_i32_1 = arith.constant 0 : i32
    return %c0_i32, %c0_i32_0 : i32, i32
  }
  func.func @transform_8(%arg0: i32) -> (i32, i32) {
    %c0_i32 = arith.constant 0 : i32
    %c0_i32_0 = arith.constant 0 : i32
    %c0_i32_1 = arith.constant 0 : i32
    return %c0_i32, %c0_i32_0 : i32, i32
  }
  func.func @transform_9(%arg0: i32) -> (i32, i32) {
    %c0_i32 = arith.constant 0 : i32
    %c0_i32_0 = arith.constant 0 : i32
    %c0_i32_1 = arith.constant 0 : i32
    return %c0_i32, %c0_i32_0 : i32, i32
  }
  func.func @transform_10(%arg0: i32) -> (i32, i32) {
    %c0_i32 = arith.constant 0 : i32
    %c0_i32_0 = arith.constant 0 : i32
    %c0_i32_1 = arith.constant 0 : i32
    return %c0_i32, %c0_i32_0 : i32, i32
  }
  func.func @transform_11(%arg0: i32) -> (i32, i32) {
    %c0_i32 = arith.constant 0 : i32
    %c0_i32_0 = arith.constant 0 : i32
    %c0_i32_1 = arith.constant 0 : i32
    return %c0_i32, %c0_i32_0 : i32, i32
  }
  func.func @transform_12(%arg0: i32) -> (i32, i32) {
    %c0_i32 = arith.constant 0 : i32
    %c0_i32_0 = arith.constant 0 : i32
    %c0_i32_1 = arith.constant 0 : i32
    return %c0_i32, %c0_i32_0 : i32, i32
  }
  func.func @transform_13(%arg0: i32) -> (i32, i32) {
    %c0_i32 = arith.constant 0 : i32
    %c0_i32_0 = arith.constant 0 : i32
    %c0_i32_1 = arith.constant 0 : i32
    return %c0_i32, %c0_i32_0 : i32, i32
  }
  func.func @transform_14(%arg0: i32) -> (i32, i32) {
    %c0_i32 = arith.constant 0 : i32
    %c0_i32_0 = arith.constant 0 : i32
    %c0_i32_1 = arith.constant 0 : i32
    return %c0_i32, %c0_i32_0 : i32, i32
  }
  func.func @transform_15(%arg0: i32) -> (i32, i32) {
    %c0_i32 = arith.constant 0 : i32
    %c0_i32_0 = arith.constant 0 : i32
    %c0_i32_1 = arith.constant 0 : i32
    return %c0_i32, %c0_i32_0 : i32, i32
  }
  func.func @transform_16(%arg0: i32) -> i32 {
    %c0_i32 = arith.constant 0 : i32
    return %arg0 : i32
  }
}

</mosaic_0001>

<sc_bundles>
// kernel: kernel.4.cloned.1.call-start
scs
__scs_entry_jumppad:
0x0: {  	(pc) =	sbr.rel $0x88, $3  }
0x1: {  	(tag) =	ssettag $0x0;
	lr =	simm.s32 $0x1  }
0x2: {  	[smem:$0x3F8F] =	sst lr;
	_ =	strace $0xD0000000  }
0x3: {  	_ = 	snop  }
0x4: {  	_ = 	snop  }
0x5: {  	_ = 	snop  }
0x6: {  	_ = 	snop  }
0x7: {  	_ = 	snop  }
__scs_overlays_trampoline_lowered:
0x8: {  	[smem:$0x3F9E] =	sst s0  }
0x9: {  	[smem:$0x3F9F] =	sst s1  }
0xa: {  	[smem:$0x3FA0] =	sst s2  }
0xb: {  	[smem:$0x3FA1] =	sst s3  }
0xc: {  	[smem:$0x3FA2] =	sst s4  }
0xd: {  	[smem:$0x3FA3] =	sst s5  }
0xe: {  	[smem:$0x3FA4] =	sst s6  }
0xf: {  	[smem:$0x3FA5] =	sst s7  }
0x10: {  	[smem:$0x3FA6] =	sst s8  }
0x11: {  	[smem:$0x3FA7] =	sst s9;
	s0 =	simm.s32 @!p0 $0x0  }
0x12: {  	s1 =	sld [smem:$0x3F8D];
	s0 =	simm.s32 @p0 $0x1  }
0x13: {  	[smem:$0x3FA8] =	sst s0;
	s0 =	simm.s32 @!p1 $0x0  }
0x14: {  	s2 =	sld [smem:$0x3F8C];
	s0 =	simm.s32 @p1 $0x1  }
0x15: {  	[smem:$0x3FA9] =	sst s0;
	s0 =	simm.s32 @!p2 $0x0  }
0x16: {  	s3 =	sld [smem:$0x3FDB];
	s0 =	simm.s32 @p2 $0x1  }
0x17: {  	s4 =	simm.s32 $0x1BF5;
	[smem:$0x3FAB] =	sst s0  }
0x18: {  	s0 =	sld [smem:$0x3F8E];
	_ =	swait.ge [sflag:s4], $0x0  }
0x19: {  	s7 =	sld [smem:$0x3F8F]  }
0x1a: {  	s8 =	sadd.s32 $0xFFFFE003, lr  }
0x1b: {  	s9 =	sadd.s32 $0xFFFFFEF7, lr;
	s5 =	simm.s32 $0xFFFFFFFF;
	p2 =	slt.u32 s8, $0xFFFFF086  }
0x1c: {  	p1 =	slt.u32 s9, $0xF7A;
	s5 =	simm.s32 @!p2 $0x0  }
0x1d: {  	s5 =	simm.s32 @p1 $0x1;
	p0 =	seq.s32 s7, s2  }
0x1e: {  	s7 =	smul.u32 @!p0 $0xF7A, s2;
	p2 =	seq.s32 @!p0 s5, $0x0  }
0x1f: {  	s9 =	smul.u32 $0xF7A, s1;
	s8 =	simm.s32 @!p0 $0x1BF5;
	p2 =	por !p2, p0  }
0x20: {  	[sflag:s8] =	ssyncset.s32 @!p0 $0xFFFFF086;
	s6 =	sadd.s32 @!p0 s3, s7;
	s7 =	simm.s32 @!p0 $0x108  }
0x21: {  	s3 =	sadd.s32 s3, s9;
	s6 =	sadd.s32 @!p0 $0x88, s6;
	s7 =	simm.s32 @p2 $0x1082  }
0x22: {  	[simem:s7], [sflag:s8] =	dma.local @!p0 [hbm:s6], $0xF7A  }
0x23: {  	s9 =	sor.u32 $0xD0000000, s2;
	s6 =	simm.s32 $0x108;
	_ =	swait.ge @!p0 [sflag:s8], $0x0  }
0x24: {  	s3 =	sadd.s32 $0x88, s3;
	s6 =	simm.s32 @!p1 $0x1082;
	[sflag:s4] =	ssyncset.s32 $0xFFFFF086  }
0x25: {  	[simem:s6], [sflag:s4] =	dma.local [hbm:s3], $0xF7A  }
0x26: {  	[smem:$0x3F8F] =	sst s1;
	(tag) =	ssettag s2;
	_ =	strace s9  }
0x27: {  	s1 =	sld [smem:$0x3F9F]  }
0x28: {  	s2 =	sld [smem:$0x3FA0]  }
0x29: {  	s4 =	sld [smem:$0x3FA2]  }
0x2a: {  	p0 =	seq.s32 s5, $0x0;
	s5 =	sld [smem:$0x3FA3]  }
0x2b: {  	s6 =	sld [smem:$0x3FA4]  }
0x2c: {  	s7 =	sld [smem:$0x3FA5]  }
0x2d: {  	s3 =	simm.s32 $0x108;
	s8 =	sld [smem:$0x3FA6]  }
0x2e: {  	s3 =	simm.s32 @!p0 $0x1082;
	s9 =	sld [smem:$0x3FA7]  }
0x2f: {  	lr =	sadd.s32 s0, s3;
	s0 =	sld [smem:$0x3F9E]  }
0x30: {  	s3 =	sld [smem:$0x3FA1]  }
0x31: {  	[smem:$0x3FAA] =	sst s10  }
0x32: {  	s10 =	sld [smem:$0x3FA8];
	_ =	sdelay $0x3  }
0x33: {  	p0 =	seq.s32 s10, $0x1;
	s10 =	sld [smem:$0x3FAA];
	_ =	sdelay $0x3  }
0x34: {  	[smem:$0x3FAA] =	sst s10  }
0x35: {  	s10 =	sld [smem:$0x3FA9];
	_ =	sdelay $0x3  }
0x36: {  	p1 =	seq.s32 s10, $0x1;
	s10 =	sld [smem:$0x3FAA];
	_ =	sdelay $0x3  }
0x37: {  	[smem:$0x3FAA] =	sst s10  }
0x38: {  	s10 =	sld [smem:$0x3FAB]  }
0x39: {  	_ = 	snop;
	(pc) =	sbr.ind lr, $3  }
0x3a: {  	_ = 	snop  }
0x3b: {  	_ = 	snop  }
0x3c: {  	p2 =	seq.s32 s10, $0x1;
	s10 =	sld [smem:$0x3FAA]  }
0x3d: {  	_ =	shalt  }
0x3e: {  	_ =	shalt  }
0x3f: {  	_ =	shalt  }
0x40: {  	_ =	shalt  }
0x41: {  	_ =	shalt  }
0x42: {  	_ =	shalt  }
0x43: {  	_ =	shalt  }
0x44: {  	_ =	shalt  }
0x45: {  	_ =	shalt  }
0x46: {  	_ =	shalt  }
0x47: {  	_ =	shalt  }
0x48: {  	_ =	shalt  }
0x49: {  	_ =	shalt  }
0x4a: {  	_ =	shalt  }
0x4b: {  	_ =	shalt  }
0x4c: {  	_ =	shalt  }
0x4d: {  	_ =	shalt  }
0x4e: {  	_ =	shalt  }
0x4f: {  	_ =	shalt  }
0x50: {  	_ =	shalt  }
0x51: {  	_ =	shalt  }
0x52: {  	_ =	shalt  }
0x53: {  	_ =	shalt  }
0x54: {  	_ =	shalt  }
0x55: {  	_ =	shalt  }
0x56: {  	_ =	shalt  }
0x57: {  	_ =	shalt  }
0x58: {  	_ =	shalt  }
0x59: {  	_ =	shalt  }
0x5a: {  	_ =	shalt  }
0x5b: {  	_ =	shalt  }
0x5c: {  	_ =	shalt  }
0x5d: {  	_ =	shalt  }
0x5e: {  	_ =	shalt  }
0x5f: {  	_ =	shalt  }
0x60: {  	_ =	shalt  }
0x61: {  	_ =	shalt  }
0x62: {  	_ =	shalt  }
0x63: {  	_ =	shalt  }
0x64: {  	_ =	shalt  }
0x65: {  	_ =	shalt  }
0x66: {  	_ =	shalt  }
0x67: {  	_ =	shalt  }
0x68: {  	_ =	shalt  }
0x69: {  	_ =	shalt  }
0x6a: {  	_ =	shalt  }
0x6b: {  	_ =	shalt  }
0x6c: {  	_ =	shalt  }
0x6d: {  	_ =	shalt  }
0x6e: {  	_ =	shalt  }
0x6f: {  	_ =	shalt  }
0x70: {  	_ =	shalt  }
0x71: {  	_ =	shalt  }
0x72: {  	_ =	shalt  }
0x73: {  	_ =	shalt  }
0x74: {  	_ =	shalt  }
0x75: {  	_ =	shalt  }
0x76: {  	_ =	shalt  }
0x77: {  	_ =	shalt  }
0x78: {  	_ =	shalt  }
0x79: {  	_ =	shalt  }
0x7a: {  	_ =	shalt  }
0x7b: {  	_ =	shalt  }
0x7c: {  	_ =	shalt  }
0x7d: {  	_ =	shalt  }
0x7e: {  	_ =	shalt  }
0x7f: {  	_ =	shalt  }
0x80: {  	_ =	shalt  }
0x81: {  	_ =	shalt  }
0x82: {  	_ =	shalt  }
0x83: {  	_ =	shalt  }
0x84: {  	_ =	shalt  }
0x85: {  	_ =	shalt  }
0x86: {  	_ =	shalt  }
0x87: {  	_ =	shalt  }
.Lfunc_end0:
.L_simem_size_0:
called_computation_lowered:
.L_overlay_start_0:
0x88: {  	s2 =	sld [smem:$0x3FD9]  }
0x89: {  	s3 =	sld [smem:$0x3FFE];
	_ =	sdelay $0x1  }
0x8a: {  	s1 =	srdreg.scid  }
0x8b: {  	s0 =	sand.u32 $0x1, s1  }
0x8c: {  	s17 =	sshll.u32 s0, $0xA;
	s2 =	sadd.s32 s3, s2  }
0x8d: {  	s2 =	sadd.s32 s2, s17  }
0x8e: {  	[smem:$0x3FB6] =	sst s2  }
0x8f: {  	_ = 	snop  }
0x90: {  	s2 =	sld [smem:$0x3FD0];
	(tm) =	ssettm $0x1  }
0x91: {  	s18 =	sld [smem:$0x3FFB];
	_ =	sdelay $0x3  }
0x92: {  	_ =	strace s18  }
0x93: {  	s3 =	sld [smem:$0x3FFC];
	_ =	sdelay $0x3  }
0x94: {  	_ =	strace s3  }
0x95: {  	s3 =	sld [smem:$0x3FFD];
	_ =	sdelay $0x3  }
0x96: {  	_ =	strace s3  }
0x97: {  	_ =	strace $0x8FFFFFFF  }
0x98: {  	s19 =	sld [smem:$0x3FDB];
	_ =	sdelay $0x1  }
0x99: {  	s4 =	simm.s32 $_scs_section_size  }
0x9a: {  	s5 =	simm.s32 $_size__tile_overlayer_lowered;
	s6 =	simm.s32 $_tile_overlayer_lowered  }
0x9b: {  	s22 =	simm.s32 $0x1BFF;
	s21 =	sshll.u32 s6, $0x1;
	s3 =	sadd.s32 s4, s19  }
0x9c: {  	s7 =	simm.s32 $0x0;
	s20 =	sshll.u32 s5, $0x1;
	s5 =	sadd.s32 s21, s3  }
0x9d: {  	[timem:s7], [sflag:s22] =	dma.local [hbm:s5], s20  }
0x9e: {  	_ =	swait.ge [sflag:s22], s20  }
0x9f: {  	s4 =	ssub.s32 $0x0, s20;
	[sflag:s22] =	ssyncset.done $0x0  }
0xa0: {  	[sflag:s22] =	ssyncadd.s32 s4;
	_ =	sdelay $0x1  }
0xa1: {  	s23 =	simm.s32 $0x1B8B  }
0xa2: {  	_ =	swait.ge [sflag:s23], $0x1  }
0xa3: {  	[sflag:s23] =	ssyncset.done $0x0  }
0xa4: {  	s25 =	simm.s32 $0x1B8E;
	s24 =	sld [smem:$0x3FFE];
	[sflag:s23] =	ssyncadd.s32 $0xFFFFFFFF  }
0xa5: {  	s26 =	simm.s32 $execute0_lowered;
	[smem:$0x3FD2] =	sst s25  }
0xa6: {  	s5 =	sshll.u32 s26, $0x1;
	_ =	strace $0x80000046;
	[dreg:$0x1] =	wrdreg $0xFFFFFFFF  }
0xa7: {  	s28 =	simm.s32 $_size_execute0_lowered;
	s3 =	sadd.s32 s3, s5;
	[dreg:$0x0] =	wrdreg $0x0  }
0xa8: {  	s5 =	sshll.u32 s28, $0x1;
	[dreg:$0x2] =	wrdreg s3  }
0xa9: {  	[dreg:$0x3] =	wrdreg s5  }
0xaa: {  	[dreg:$0x4] =	wrdreg $0xC0  }
0xab: {  	_ =	task [dreg:s7], $0x5FFFF  }
0xac: {  	[dreg:$0x1] =	wrdreg $0xFFFFFFFF  }
0xad: {  	[dreg:$0x0] =	wrdreg $0x60  }
0xae: {  	[dreg:$0x2] =	wrdreg s24  }
0xaf: {  	[dreg:$0x3] =	wrdreg s2  }
0xb0: {  	[dreg:$0x4] =	wrdreg $0x9  }
0xb1: {  	_ =	task.clear_ibuf [dreg:s7], $0x5FFFF;
	_ =	strace $0x90000046  }
0xb2: {  	s29 =	simm.s32 $0x9;
	_ =	strace $0x80000048  }
0xb3: {  	_ =	swait.ge [sflag:s29], $0x1  }
0xb4: {  	[sflag:s29] =	ssyncadd.s32 $0xFFFFFFFF  }
0xb5: {  	_ =	strace $0x90000048  }
0xb6: {  	_ =	sfence  }
0xb7: {  	s30 =	sld [smem:$0x0];
	_ =	sdelay $0x2  }
0xb8: {  	s31 =	sshll.u32 s1, $0xD;
	s1 =	sshrl.u32 s1, $0x2  }
0xb9: {  	s3 =	sand.u32 $0x4000, s31;
	s1 =	sadd.s32 s1, s30  }
0xba: {  	s0 =	sor.u32 s3, s0;
	s1 =	sshll.u32 s1, $0x11  }
0xbb: {  	s0 =	sor.u32 s1, s0  }
0xbc: {  	s0 =	sadd.s32 $0x8F2B, s0  }
0xbd: {  	[sflag:s0] =	ssyncadd.remote.s32 $0x1  }
0xbe: {  	_ =	sfence.sel $0xFFFF  }
0xbf: {  	[dreg:$0x0] =	wrdreg $0xFFFFFFFF;
	(pc) =	sbr.abs _section_cstart, $3  }
0xc0: {  	[dreg:$0x1] =	wrdreg $0xFFFFFFFF  }
0xc1: {  	_ =	task.clear_ibuf [dreg:s7], $0x2FFFF;
	_ =	strace $0x9FFFFFFF  }
0xc2: {  	(tm) =	ssettm $0x7FFFFFFF  }
0xc3: {  	_ =	shalt  }
tec
execute0_lowered:
.L_overlay_start_1:
0x0: {  	(tag) =	ssettag $0x1  }
0x1: {  	s0 =	rddreg [dreg:$0x0];
	s1 =	srdreg.scid  }
0x2: {  	s2 =	stileid.u32;
	s4 =	rddreg [dreg:$0x1]  }
0x3: {  	s18 =	simm.s32 $0x0;
	s13 =	simm.s32 $0x40;
	s14 =	simm.s32 $0x2000  }
0x4: {  	s15 =	simm.s32 $0x3000;
	s16 =	simm.s32 $0x80;
	s17 =	simm.s32 $0x4000  }
0x5: {  	s19 =	simm.s32 $0x5000;
	s1 =	sand.u32 $0x1, s1;
	s8 =	smul.u32 $0xF000, s2  }
0x6: {  	s3 =	sshll.u32 s2, $0x1;
	[smem:$0x7FF] =	sst s18;
	s10 =	smul.u32 $0x78000, s2  }
0x7: {  	s22 =	sadd.s32 $0x45800, s0;
	s5 =	sadd.s32 $0x46800, s0;
	s6 =	sor.u32 s1, s3  }
0x8: {  	_ =	strace $0x80000047;
	s9 =	ssub.s32 $0x2, s1;
	s12 =	smul.u32 $0x3C000, s1  }
0x9: {  	[dreg:$0x6] =	wrdreg s22;
	s1 =	smul.u32 $0x7800, s1;
	s3 =	sshll.u32 s6, $0x9  }
0xa: {  	s11 =	sshrl.u32 s9, $0x1;
	s6 =	sshll.u32 s6, $0x4;
	s7 =	sadd.s32 s3, s0  }
0xb: {  	s3 =	sadd.s32 $0xAE00, s0;
	s23 =	ssub.s32 s9, s11;
	s1 =	sadd.s32 s1, s8  }
0xc: {  	s26 =	sadd.s32 s12, s10;
	s30 =	sadd.s32 s4, s6;
	[dreg:$0x3] =	wrdreg s1  }
0xd: {  	s10 =	simm.s32 $0x9;
	s24 =	sadd.s32 $0x2E00, s7;
	[dreg:$0x9] =	wrdreg s30  }
0xe: {  	s12 =	simm.s32 $0xA080;
	s25 =	sadd.s32 $0x6E00, s7;
	[dreg:$0x7] =	wrdreg s24  }
0xf: {  	s28 =	sadd.s32 $0x4000, s26;
	s0 =	smax.u32 s23, $0x1;
	[dreg:$0x8] =	wrdreg s25  }
0x10: {  	s9 =	sadd.s32 $0x6000, s26;
	s29 =	sshrl.u32 s28, $0x3;
	[dreg:$0xa] =	wrdreg s0  }
0x11: {  	s1 =	simm.s32 $0x0;
	s31 =	sshrl.u32 s9, $0x3;
	[dreg:$0x4] =	wrdreg s29  }
0x12: {  	s24 =	simm.s32 $0x1;
	s25 =	simm.s32 $0x2;
	[dreg:$0x5] =	wrdreg s31  }
.LBB2_1:
0x13: {  	s0 =	rddreg [dreg:$0x7]  }
0x14: {  	[tilespmem:s18], [sflag:$0x9] =	stream.linear.gather [hbm4b:s0+s18], $0x1000, $0x38;
	[tilespmem:$0x115B0] =	vst v63  }
0x15: {  	_ =	swait.ge [sflag:s10], $0x1000  }
0x16: {  	[sflag:s10] =	ssyncset.done $0x0  }
0x17: {  	s2 =	simm.s32 $0x1000;
	s20 =	rddreg [dreg:$0x8];
	[sflag:s10] =	ssyncadd.s32 $0xFFFFF000  }
0x18: {  	[tilespmem:s2], [sflag:$0x9] =	stream.linear.gather [hbm4b:s20+s18], $0x1000, $0x38;
	[tilespmem:$0x115B0] =	vst v63  }
0x19: {  	_ =	swait.ge [sflag:s10], $0x1000  }
0x1a: {  	[sflag:s10] =	ssyncset.done $0x0  }
0x1b: {  	s21 =	rddreg [dreg:$0x6];
	[sflag:s10] =	ssyncadd.s32 $0xFFFFF000  }
0x1c: {  	[tilespmem:s12], [sflag:$0x9] =	stream.linear.gather [hbm4b:s21+s18], $0x7530, $0x38;
	[tilespmem:$0x115B0] =	vst v63  }
0x1d: {  	_ =	swait.ge [sflag:s10], $0x7530  }
0x1e: {  	[sflag:s10] =	ssyncset.done $0x0  }
0x1f: {  	[sflag:s10] =	ssyncadd.s32 $0xFFFF8AD0  }
0x20: {  	[tilespmem:s14], [sflag:$0x1] =	stream.indirect.gather [hbm4b:s3+s13], $0x40, s18, s13, $0xb8;
	[tilespmem:$0x115B0] =	vst v63  }
0x21: {  	_ = 	snop  }
0x22: {  	[tilespmem:s15], [sflag:$0x1] =	stream.indirect.gather [hbm4b:s3+s13], $0x40, s13, s13, $0xb8;
	[tilespmem:$0x115B0] =	vst v63  }
0x23: {  	_ = 	snop  }
0x24: {  	[tilespmem:s17], [sflag:$0x2] =	stream.indirect.gather [hbm4b:s3+s13], $0x40, s16, s13, $0xb8;
	[tilespmem:$0x115B0] =	vst v63  }
0x25: {  	s22 =	simm.s32 $0xC0  }
0x26: {  	[tilespmem:s19], [sflag:$0x2] =	stream.indirect.gather [hbm4b:s3+s13], $0x40, s22, s13, $0xb8;
	[tilespmem:$0x115B0] =	vst v63  }
0x27: {  	s23 =	simm.s32 $0x100;
	s26 =	simm.s32 $0x6000  }
0x28: {  	[tilespmem:s26], [sflag:$0x3] =	stream.indirect.gather [hbm4b:s3+s13], $0x40, s23, s13, $0xb8;
	[tilespmem:$0x115B0] =	vst v63  }
0x29: {  	s28 =	simm.s32 $0x140;
	s29 =	simm.s32 $0x7000  }
0x2a: {  	[tilespmem:s29], [sflag:$0x3] =	stream.indirect.gather [hbm4b:s3+s13], $0x40, s28, s13, $0xb8;
	[tilespmem:$0x115B0] =	vst v63  }
0x2b: {  	_ =	swait.ge [sflag:s24], $0x1000  }
0x2c: {  	[sflag:s24] =	ssyncset.done $0x0  }
0x2d: {  	[sflag:s24] =	ssyncadd.s32 $0xFFFFF000  }
0x2e: {  	p0 =	por $0x0, $0x0;
	_ =	swait.ge [sflag:s24], $0x1000  }
0x2f: {  	p1 =	por @!p0 $0x1, $0x1;
	s30 =	rddreg [dreg:$0x3];
	[sflag:s24] =	ssyncset.done $0x0  }
0x30: {  	p1 =	por p1, p0;
	[sflag:s24] =	ssyncadd.s32 $0xFFFFF000;
	s6 =	sadd.s32 s5, s30  }
0x31: {  	[hbm4b:s6+s13] =	stream.strided.scatter [tilespmem:s14], [sflag:$0x5], $0x1000, s16, s13, $0x38;
	[tilespmem:$0x115B0] =	vst v63  }
0x32: {  	s11 =	simm.s32 @!p1 $0x8;
	s0 =	sadd.s32 $0x8, s6  }
0x33: {  	[hbm4b:s0+s13] =	stream.strided.scatter [tilespmem:s15], [sflag:$0x5], $0x1000, s16, s13, $0x38;
	[tilespmem:$0x115B0] =	vst v63  }
0x34: {  	_ =	swait.ge @!p1 [sflag:s11], $0x1000  }
0x35: {  	[sflag:s11] =	ssyncset.done @!p1 $0x0  }
0x36: {  	[sflag:s11] =	ssyncadd.s32 @!p1 $0xFFFFF000  }
0x37: {  	_ =	swait.ge @!p1 [sflag:s11], $0x1000  }
0x38: {  	s4 =	simm.s32 @!p0 $0x40;
	[sflag:s11] =	ssyncset.done @!p1 $0x0  }
0x39: {  	s18 =	simm.s32 @!p0 $0x180;
	s0 =	simm.s32 @!p0 $0x8000;
	[sflag:s11] =	ssyncadd.s32 @!p1 $0xFFFFF000  }
0x3a: {  	[tilespmem:s0], [sflag:$0x4] =	stream.indirect.gather @!p0 [hbm4b:s3+s4], $0x40, s18, s4, $0xb8;
	[tilespmem:$0x115B0] =	vst v63  }
0x3b: {  	s11 =	simm.s32 @!p0 $0x9000;
	s18 =	simm.s32 @!p0 $0x1C0  }
0x3c: {  	[tilespmem:s11], [sflag:$0x4] =	stream.indirect.gather @!p0 [hbm4b:s3+s4], $0x40, s18, s4, $0xb8;
	[tilespmem:$0x115B0] =	vst v63  }
0x3d: {  	_ =	swait.ge [sflag:s25], $0x1000  }
0x3e: {  	[sflag:s25] =	ssyncset.done $0x0  }
0x3f: {  	[sflag:s25] =	ssyncadd.s32 $0xFFFFF000  }
0x40: {  	_ =	swait.ge [sflag:s25], $0x1000  }
0x41: {  	[sflag:s25] =	ssyncset.done $0x0  }
0x42: {  	s31 =	sadd.s32 $0x400, s6;
	p1 =	por $0x0, $0x0;
	[sflag:s25] =	ssyncadd.s32 $0xFFFFF000  }
0x43: {  	[hbm4b:s31+s13] =	stream.strided.scatter [tilespmem:s17], [sflag:$0x6], $0x1000, s16, s13, $0x38;
	[tilespmem:$0x115B0] =	vst v63  }
0x44: {  	s6 =	sadd.s32 $0x408, s6;
	s18 =	simm.s32 @!p1 $0x5  }
0x45: {  	[hbm4b:s6+s13] =	stream.strided.scatter [tilespmem:s19], [sflag:$0x6], $0x1000, s16, s13, $0x38;
	[tilespmem:$0x115B0] =	vst v63  }
0x46: {  	_ =	swait.ge @!p1 [sflag:s18], $0x1000  }
0x47: {  	[sflag:s18] =	ssyncset.done @!p1 $0x0  }
0x48: {  	[sflag:s18] =	ssyncadd.s32 @!p1 $0xFFFFF000  }
0x49: {  	_ =	swait.ge @!p1 [sflag:s18], $0x1000  }
0x4a: {  	p2 =	por @!p1 $0x0, $0x0;
	s20 =	simm.s32 @!p1 $0x2000;
	[sflag:s18] =	ssyncset.done @!p1 $0x0  }
0x4b: {  	s21 =	simm.s32 @!p1 $0x200;
	s6 =	simm.s32 @!p1 $0x40;
	[sflag:s18] =	ssyncadd.s32 @!p1 $0xFFFFF000  }
0x4c: {  	[tilespmem:s20], [sflag:$0x1] =	stream.indirect.gather @!p1 [hbm4b:s3+s6], $0x40, s21, s6, $0xb8;
	[tilespmem:$0x115B0] =	vst v63  }
0x4d: {  	p2 =	por p2, p1;
	s18 =	simm.s32 @!p1 $0x240;
	s20 =	simm.s32 @!p1 $0x3000  }
0x4e: {  	[tilespmem:s20], [sflag:$0x1] =	stream.indirect.gather @!p1 [hbm4b:s3+s6], $0x40, s18, s6, $0xb8;
	[tilespmem:$0x115B0] =	vst v63  }
0x4f: {  	s18 =	simm.s32 @!p2 $0x3  }
0x50: {  	_ =	swait.ge @!p2 [sflag:s18], $0x1000  }
0x51: {  	[sflag:s18] =	ssyncset.done @!p2 $0x0  }
0x52: {  	[sflag:s18] =	ssyncadd.s32 @!p2 $0xFFFFF000  }
0x53: {  	s22 =	simm.s32 @!p2 $0x40;
	_ =	swait.ge @!p2 [sflag:s18], $0x1000  }
0x54: {  	s21 =	simm.s32 @!p2 $0x6000;
	s20 =	rddreg [dreg:$0x4];
	[sflag:s18] =	ssyncset.done @!p2 $0x0  }
0x55: {  	[sflag:s18] =	ssyncadd.s32 @!p2 $0xFFFFF000;
	s18 =	simm.s32 @!p2 $0x80;
	s20 =	sadd.s32 @!p2 s5, s20  }
0x56: {  	[hbm4b:s20+s22] =	stream.strided.scatter @!p2 [tilespmem:s21], [sflag:$0x7], $0x1000, s18, s22, $0x38;
	[tilespmem:$0x115B0] =	vst v63  }
0x57: {  	s21 =	simm.s32 @!p2 $0x7000;
	s20 =	sadd.s32 @!p2 $0x8, s20  }
0x58: {  	[hbm4b:s20+s22] =	stream.strided.scatter @!p2 [tilespmem:s21], [sflag:$0x7], $0x1000, s18, s22, $0x38;
	[tilespmem:$0x115B0] =	vst v63  }
0x59: {  	s18 =	simm.s32 @!p1 $0x6  }
0x5a: {  	_ =	swait.ge @!p1 [sflag:s18], $0x1000  }
0x5b: {  	[sflag:s18] =	ssyncset.done @!p1 $0x0  }
0x5c: {  	[sflag:s18] =	ssyncadd.s32 @!p1 $0xFFFFF000  }
0x5d: {  	_ =	swait.ge @!p1 [sflag:s18], $0x1000  }
0x5e: {  	[sflag:s18] =	ssyncset.done @!p1 $0x0  }
0x5f: {  	s20 =	simm.s32 @!p1 $0x280;
	s21 =	simm.s32 @!p1 $0x4000;
	[sflag:s18] =	ssyncadd.s32 @!p1 $0xFFFFF000  }
0x60: {  	[tilespmem:s21], [sflag:$0x2] =	stream.indirect.gather @!p1 [hbm4b:s3+s6], $0x40, s20, s6, $0xb8;
	[tilespmem:$0x115B0] =	vst v63  }
0x61: {  	s18 =	simm.s32 @!p1 $0x2C0;
	s20 =	simm.s32 @!p1 $0x5000;
	s21 =	simm.s32 @!p0 $0x4  }
0x62: {  	[tilespmem:s20], [sflag:$0x2] =	stream.indirect.gather @!p1 [hbm4b:s3+s6], $0x40, s18, s6, $0xb8;
	[tilespmem:$0x115B0] =	vst v63  }
0x63: {  	_ =	swait.ge @!p0 [sflag:s21], $0x1000  }
0x64: {  	[sflag:s21] =	ssyncset.done @!p0 $0x0  }
0x65: {  	[sflag:s21] =	ssyncadd.s32 @!p0 $0xFFFFF000  }
0x66: {  	_ =	swait.ge @!p0 [sflag:s21], $0x1000  }
0x67: {  	p2 =	por $0x0, $0x0;
	s6 =	rddreg [dreg:$0x5];
	[sflag:s21] =	ssyncset.done @!p0 $0x0  }
0x68: {  	s18 =	simm.s32 @!p0 $0x80;
	[sflag:s21] =	ssyncadd.s32 @!p0 $0xFFFFF000;
	s6 =	sadd.s32 @!p0 s5, s6  }
0x69: {  	[hbm4b:s6+s4] =	stream.strided.scatter @!p0 [tilespmem:s0], [sflag:$0x8], $0x1000, s18, s4, $0x38;
	[tilespmem:$0x115B0] =	vst v63  }
0x6a: {  	s23 =	simm.s32 @!p2 $0x300;
	s0 =	simm.s32 $0x800;
	s20 =	sadd.s32 @!p0 $0x8, s6  }
0x6b: {  	[hbm4b:s20+s4] =	stream.strided.scatter @!p0 [tilespmem:s11], [sflag:$0x8], $0x1000, s18, s4, $0x38;
	[tilespmem:$0x115B0] =	vst v63  }
0x6c: {  	s6 =	simm.s32 @!p2 $0x7;
	s11 =	sadd.s32 $0x1000, s5;
	s18 =	simm.s32 $0x7  }
0x6d: {  	s4 =	simm.s32 @!p2 $0x340;
	s20 =	simm.s32 $0x0;
	_ =	swait.ge @!p2 [sflag:s6], $0x1000  }
.LBB2_2:
0x6e: {  	[sflag:s6] =	ssyncset.done @!p2 $0x0  }
0x6f: {  	[sflag:s6] =	ssyncadd.s32 @!p2 $0xFFFFF000  }
0x70: {  	_ =	swait.ge @!p2 [sflag:s6], $0x1000  }
0x71: {  	[sflag:s6] =	ssyncset.done @!p2 $0x0  }
0x72: {  	s31 =	simm.s32 @!p2 $0x40;
	s7 =	simm.s32 @!p2 $0x6000;
	[sflag:s6] =	ssyncadd.s32 @!p2 $0xFFFFF000  }
0x73: {  	[tilespmem:s7], [sflag:$0x3] =	stream.indirect.gather @!p2 [hbm4b:s3+s31], $0x40, s23, s31, $0xb8;
	[tilespmem:$0x115B0] =	vst v63  }
0x74: {  	s8 =	simm.s32 @!p2 $0x7000  }
0x75: {  	[tilespmem:s8], [sflag:$0x3] =	stream.indirect.gather @!p2 [hbm4b:s3+s31], $0x40, s4, s31, $0xb8;
	[tilespmem:$0x115B0] =	vst v63  }
0x76: {  	_ =	swait.ge [sflag:s24], $0x1000  }
0x77: {  	[sflag:s24] =	ssyncset.done $0x0  }
0x78: {  	[sflag:s24] =	ssyncadd.s32 $0xFFFFF000  }
0x79: {  	s21 =	smov.u32 s0;
	p1 =	sgt.u32 s18, $0x1D;
	_ =	swait.ge [sflag:s24], $0x1000  }
0x7a: {  	p2 =	seq.s32 @!p1 s21, $0x0;
	s28 =	rddreg [dreg:$0x3];
	[sflag:s24] =	ssyncset.done $0x0  }
0x7b: {  	p2 =	por p2, p1;
	[sflag:s24] =	ssyncadd.s32 $0xFFFFF000;
	s6 =	sadd.s32 s11, s28  }
0x7c: {  	[hbm4b:s6+s13] =	stream.strided.scatter [tilespmem:s14], [sflag:$0x5], $0x1000, s16, s13, $0x38;
	[tilespmem:$0x115B0] =	vst v63  }
0x7d: {  	s9 =	simm.s32 @!p2 $0x8;
	s29 =	sadd.s32 $0x8, s6  }
0x7e: {  	[hbm4b:s29+s13] =	stream.strided.scatter [tilespmem:s15], [sflag:$0x5], $0x1000, s16, s13, $0x38;
	[tilespmem:$0x115B0] =	vst v63  }
0x7f: {  	_ =	swait.ge @!p2 [sflag:s9], $0x1000  }
0x80: {  	[sflag:s9] =	ssyncset.done @!p2 $0x0  }
0x81: {  	[sflag:s9] =	ssyncadd.s32 @!p2 $0xFFFFF000  }
0x82: {  	_ =	swait.ge @!p2 [sflag:s9], $0x1000  }
0x83: {  	s23 =	simm.s32 @!p1 $0x40;
	s4 =	sshra.s32 @!p1 s21, $0x2;
	[sflag:s9] =	ssyncset.done @!p2 $0x0  }
0x84: {  	s31 =	simm.s32 @!p1 $0x8000;
	s7 =	sadd.s32 @!p1 $0x180, s4;
	[sflag:s9] =	ssyncadd.s32 @!p2 $0xFFFFF000  }
0x85: {  	[tilespmem:s31], [sflag:$0x4] =	stream.indirect.gather @!p1 [hbm4b:s3+s23], $0x40, s7, s23, $0xb8;
	[tilespmem:$0x115B0] =	vst v63  }
0x86: {  	s8 =	sadd.s32 @!p1 $0x1C0, s4;
	s4 =	simm.s32 @!p1 $0x9000  }
0x87: {  	[tilespmem:s4], [sflag:$0x4] =	stream.indirect.gather @!p1 [hbm4b:s3+s23], $0x40, s8, s23, $0xb8;
	[tilespmem:$0x115B0] =	vst v63  }
0x88: {  	_ =	swait.ge [sflag:s25], $0x1000  }
0x89: {  	[sflag:s25] =	ssyncset.done $0x0  }
0x8a: {  	[sflag:s25] =	ssyncadd.s32 $0xFFFFF000  }
0x8b: {  	_ =	swait.ge [sflag:s25], $0x1000  }
0x8c: {  	[sflag:s25] =	ssyncset.done $0x0  }
0x8d: {  	s30 =	sadd.s32 $0x400, s6;
	p2 =	seq.s32 s21, $0x3800;
	[sflag:s25] =	ssyncadd.s32 $0xFFFFF000  }
0x8e: {  	[hbm4b:s30+s13] =	stream.strided.scatter [tilespmem:s17], [sflag:$0x6], $0x1000, s16, s13, $0x38;
	[tilespmem:$0x115B0] =	vst v63  }
0x8f: {  	s6 =	sadd.s32 $0x408, s6;
	s7 =	simm.s32 @!p2 $0x5  }
0x90: {  	[hbm4b:s6+s13] =	stream.strided.scatter [tilespmem:s19], [sflag:$0x6], $0x1000, s16, s13, $0x38;
	[tilespmem:$0x115B0] =	vst v63  }
0x91: {  	_ =	swait.ge @!p2 [sflag:s7], $0x1000  }
0x92: {  	[sflag:s7] =	ssyncset.done @!p2 $0x0  }
0x93: {  	[sflag:s7] =	ssyncadd.s32 @!p2 $0xFFFFF000  }
0x94: {  	s9 =	sshra.s32 @!p2 s21, $0x2;
	s8 =	sadd.s32 @!p2 $0xFFFFFFFF, s18;
	_ =	swait.ge @!p2 [sflag:s7], $0x1000  }
0x95: {  	s2 =	sadd.s32 @!p2 $0x200, s9;
	p3 =	sgt.u32 @!p2 s8, $0x1D;
	[sflag:s7] =	ssyncset.done @!p2 $0x0  }
0x96: {  	s8 =	simm.s32 @!p2 $0x2000;
	s6 =	simm.s32 @!p2 $0x40;
	[sflag:s7] =	ssyncadd.s32 @!p2 $0xFFFFF000  }
0x97: {  	[tilespmem:s8], [sflag:$0x1] =	stream.indirect.gather @!p2 [hbm4b:s3+s6], $0x40, s2, s6, $0xb8;
	[tilespmem:$0x115B0] =	vst v63  }
0x98: {  	s26 =	sadd.s32 @!p2 $0x240, s9;
	p3 =	por p3, p2;
	s2 =	simm.s32 @!p2 $0x3000  }
0x99: {  	[tilespmem:s2], [sflag:$0x1] =	stream.indirect.gather @!p2 [hbm4b:s3+s6], $0x40, s26, s6, $0xb8;
	[tilespmem:$0x115B0] =	vst v63  }
0x9a: {  	s2 =	simm.s32 @!p3 $0x3  }
0x9b: {  	_ =	swait.ge @!p3 [sflag:s2], $0x1000  }
0x9c: {  	[sflag:s2] =	ssyncset.done @!p3 $0x0  }
0x9d: {  	[sflag:s2] =	ssyncadd.s32 @!p3 $0xFFFFF000  }
0x9e: {  	s29 =	simm.s32 @!p3 $0x40;
	_ =	swait.ge @!p3 [sflag:s2], $0x1000  }
0x9f: {  	s30 =	simm.s32 @!p3 $0x80;
	s26 =	rddreg [dreg:$0x4];
	[sflag:s2] =	ssyncset.done @!p3 $0x0  }
0xa0: {  	s7 =	simm.s32 @!p3 $0x6000;
	[sflag:s2] =	ssyncadd.s32 @!p3 $0xFFFFF000;
	s2 =	sadd.s32 @!p3 s11, s26  }
0xa1: {  	[hbm4b:s2+s29] =	stream.strided.scatter @!p3 [tilespmem:s7], [sflag:$0x7], $0x1000, s30, s29, $0x38;
	[tilespmem:$0x115B0] =	vst v63  }
0xa2: {  	s8 =	simm.s32 @!p3 $0x7000;
	s2 =	sadd.s32 @!p3 $0x8, s2;
	s7 =	simm.s32 @!p2 $0x6  }
0xa3: {  	[hbm4b:s2+s29] =	stream.strided.scatter @!p3 [tilespmem:s8], [sflag:$0x7], $0x1000, s30, s29, $0x38;
	[tilespmem:$0x115B0] =	vst v63  }
0xa4: {  	_ =	swait.ge @!p2 [sflag:s7], $0x1000  }
0xa5: {  	[sflag:s7] =	ssyncset.done @!p2 $0x0  }
0xa6: {  	[sflag:s7] =	ssyncadd.s32 @!p2 $0xFFFFF000  }
0xa7: {  	_ =	swait.ge @!p2 [sflag:s7], $0x1000  }
0xa8: {  	[sflag:s7] =	ssyncset.done @!p2 $0x0  }
0xa9: {  	s2 =	sadd.s32 @!p2 $0x280, s9;
	s8 =	simm.s32 @!p2 $0x4000;
	[sflag:s7] =	ssyncadd.s32 @!p2 $0xFFFFF000  }
0xaa: {  	[tilespmem:s8], [sflag:$0x2] =	stream.indirect.gather @!p2 [hbm4b:s3+s6], $0x40, s2, s6, $0xb8;
	[tilespmem:$0x115B0] =	vst v63  }
0xab: {  	s28 =	sadd.s32 @!p2 $0x2C0, s9;
	s7 =	simm.s32 @!p1 $0x4;
	s2 =	simm.s32 @!p2 $0x5000  }
0xac: {  	[tilespmem:s2], [sflag:$0x2] =	stream.indirect.gather @!p2 [hbm4b:s3+s6], $0x40, s28, s6, $0xb8;
	[tilespmem:$0x115B0] =	vst v63  }
0xad: {  	s20 =	sadd.s32 $0x1, s20;
	_ =	swait.ge @!p1 [sflag:s7], $0x1000  }
0xae: {  	s0 =	sadd.s32 $0x800, s0;
	s22 =	smov.u32 s11;
	[sflag:s7] =	ssyncset.done @!p1 $0x0  }
0xaf: {  	p0 =	sne.s32 s0, $0x4000;
	s18 =	sadd.s32 $0x4, s18;
	[sflag:s7] =	ssyncadd.s32 @!p1 $0xFFFFF000  }
0xb0: {  	s11 =	sadd.s32 $0x1000, s11;
	s8 =	simm.s32 @!p1 $0x80;
	_ =	swait.ge @!p1 [sflag:s7], $0x1000  }
0xb1: {  	p2 =	sgt.u32 s20, $0x5;
	s2 =	rddreg [dreg:$0x5];
	[sflag:s7] =	ssyncset.done @!p1 $0x0  }
.Ltmp0:
0xb2: {  	[sflag:s7] =	ssyncadd.s32 @!p1 $0xFFFFF000;
	s2 =	sadd.s32 @!p1 s22, s2;
	(pc) =	sbr.rel @p0 .LBB2_2-.Ltmp0, $4  }
0xb3: {  	[hbm4b:s2+s23] =	stream.strided.scatter @!p1 [tilespmem:s31], [sflag:$0x8], $0x1000, s8, s23, $0x38;
	[tilespmem:$0x115B0] =	vst v63  }
0xb4: {  	s6 =	simm.s32 @!p2 $0x7;
	s7 =	sshra.s32 @!p2 s21, $0x2;
	s2 =	sadd.s32 @!p1 $0x8, s2  }
0xb5: {  	[hbm4b:s2+s23] =	stream.strided.scatter @!p1 [tilespmem:s4], [sflag:$0x8], $0x1000, s8, s23, $0x38;
	[tilespmem:$0x115B0] =	vst v63  }
0xb6: {  	s23 =	sadd.s32 @!p2 $0x300, s7;
	s4 =	sadd.s32 @!p2 $0x340, s7;
	_ =	swait.ge @!p2 [sflag:s6], $0x1000  }
0xb7: {  	[sflag:s6] =	ssyncset.done @!p2 $0x0  }
0xb8: {  	[sflag:s6] =	ssyncadd.s32 @!p2 $0xFFFFF000  }
0xb9: {  	_ =	swait.ge @!p2 [sflag:s6], $0x1000  }
0xba: {  	[sflag:s6] =	ssyncset.done @!p2 $0x0  }
0xbb: {  	s0 =	simm.s32 @!p2 $0x40;
	s2 =	simm.s32 @!p2 $0x6000;
	[sflag:s6] =	ssyncadd.s32 @!p2 $0xFFFFF000  }
0xbc: {  	[tilespmem:s2], [sflag:$0x3] =	stream.indirect.gather @!p2 [hbm4b:s3+s0], $0x40, s23, s0, $0xb8;
	[tilespmem:$0x115B0] =	vst v63  }
0xbd: {  	s28 =	simm.s32 $0x7;
	s2 =	simm.s32 @!p2 $0x7000  }
0xbe: {  	[tilespmem:s2], [sflag:$0x3] =	stream.indirect.gather @!p2 [hbm4b:s3+s0], $0x40, s4, s0, $0xb8;
	[tilespmem:$0x115B0] =	vst v63  }
0xbf: {  	_ =	swait.ge [sflag:s28], $0x1000  }
0xc0: {  	[sflag:s28] =	ssyncset.done $0x0  }
0xc1: {  	[sflag:s28] =	ssyncadd.s32 $0xFFFFF000  }
0xc2: {  	_ =	swait.ge [sflag:s28], $0x1000  }
0xc3: {  	[sflag:s28] =	ssyncset.done $0x0  }
0xc4: {  	s29 =	simm.s32 $0x8;
	[sflag:s28] =	ssyncadd.s32 $0xFFFFF000  }
0xc5: {  	_ =	swait.ge [sflag:s29], $0x1000  }
0xc6: {  	[sflag:s29] =	ssyncset.done $0x0  }
0xc7: {  	[sflag:s29] =	ssyncadd.s32 $0xFFFFF000  }
0xc8: {  	_ =	swait.ge [sflag:s29], $0x1000  }
0xc9: {  	[sflag:s29] =	ssyncset.done $0x0  }
0xca: {  	s30 =	simm.s32 $0x5;
	[sflag:s29] =	ssyncadd.s32 $0xFFFFF000  }
0xcb: {  	_ =	swait.ge [sflag:s30], $0x1000  }
0xcc: {  	[sflag:s30] =	ssyncset.done $0x0  }
0xcd: {  	[sflag:s30] =	ssyncadd.s32 $0xFFFFF000  }
0xce: {  	_ =	swait.ge [sflag:s30], $0x1000  }
0xcf: {  	[sflag:s30] =	ssyncset.done $0x0  }
0xd0: {  	s31 =	simm.s32 $0x6;
	[sflag:s30] =	ssyncadd.s32 $0xFFFFF000  }
0xd1: {  	_ =	swait.ge [sflag:s31], $0x1000  }
0xd2: {  	[sflag:s31] =	ssyncset.done $0x0  }
0xd3: {  	[sflag:s31] =	ssyncadd.s32 $0xFFFFF000  }
0xd4: {  	_ =	swait.ge [sflag:s31], $0x1000  }
0xd5: {  	[sflag:s31] =	ssyncset.done $0x0  }
0xd6: {  	v0 =	vimm.f32 $0.0e+00;
	[sflag:s31] =	ssyncadd.s32 $0xFFFFF000  }
0xd7: {  	[tilespmem:$0xA000] =	vst v0  }
0xd8: {  	[tilespmem:$0xA010] =	vst v0  }
0xd9: {  	[tilespmem:$0xA020] =	vst v0  }
0xda: {  	[tilespmem:$0xA030] =	vst v0  }
0xdb: {  	[tilespmem:$0xA040] =	vst v0  }
0xdc: {  	v1 =	vimm.f32 $0.0e+00;
	[tilespmem:$0xA050] =	vst v0  }
0xdd: {  	v2 =	vimm.f32 $0.0e+00;
	v3 =	vimm.f32 $0.0e+00;
	v4 =	vimm.f32 $0.0e+00;
	[tilespmem:$0xA060] =	vst v0  }
0xde: {  	v5 =	vimm.f32 $0.0e+00;
	v6 =	vimm.f32 $0.0e+00;
	v7 =	vimm.f32 $0.0e+00;
	s0 =	simm.s32 $0x0;
	[tilespmem:$0xA070] =	vst v0  }
.LBB2_4:
0xdf: {  	s2 =	sshra.s32 s0, $0x2  }
0xe0: {  	v8 =	vld [tilespmem:s2+$0x1000];
	_ =	sdelay $0x7  }
0xe1: {  	v8 =	vld.idx.msk [tilespmem:v8+s12+$0x0], $0xffff;
	_ =	sdelay $0x4  }
0xe2: {  	v7 =	vadd.f32 v7, v8;
	_ =	sdelay $0x1  }
0xe3: {  	[tilespmem:$0xA000] =	vst v7  }
0xe4: {  	v8 =	vld [tilespmem:s2+$0x1010];
	_ =	sdelay $0x7  }
0xe5: {  	v8 =	vld.idx.msk [tilespmem:v8+s12+$0x0], $0xffff;
	_ =	sdelay $0x4  }
0xe6: {  	v6 =	vadd.f32 v6, v8;
	_ =	sdelay $0x1  }
0xe7: {  	[tilespmem:$0xA010] =	vst v6  }
0xe8: {  	v8 =	vld [tilespmem:s2+$0x1020];
	_ =	sdelay $0x7  }
0xe9: {  	v8 =	vld.idx.msk [tilespmem:v8+s12+$0x0], $0xffff;
	_ =	sdelay $0x4  }
0xea: {  	v5 =	vadd.f32 v5, v8;
	_ =	sdelay $0x1  }
0xeb: {  	[tilespmem:$0xA020] =	vst v5  }
0xec: {  	v8 =	vld [tilespmem:s2+$0x1030];
	_ =	sdelay $0x7  }
0xed: {  	v8 =	vld.idx.msk [tilespmem:v8+s12+$0x0], $0xffff;
	_ =	sdelay $0x4  }
0xee: {  	v4 =	vadd.f32 v4, v8;
	_ =	sdelay $0x1  }
0xef: {  	[tilespmem:$0xA030] =	vst v4  }
0xf0: {  	v8 =	vld [tilespmem:s2+$0x1040];
	_ =	sdelay $0x7  }
0xf1: {  	v8 =	vld.idx.msk [tilespmem:v8+s12+$0x0], $0xffff;
	_ =	sdelay $0x4  }
0xf2: {  	v3 =	vadd.f32 v3, v8;
	_ =	sdelay $0x1  }
0xf3: {  	[tilespmem:$0xA040] =	vst v3  }
0xf4: {  	v8 =	vld [tilespmem:s2+$0x1050];
	_ =	sdelay $0x7  }
0xf5: {  	v8 =	vld.idx.msk [tilespmem:v8+s12+$0x0], $0xffff;
	_ =	sdelay $0x4  }
0xf6: {  	v2 =	vadd.f32 v2, v8;
	_ =	sdelay $0x1  }
0xf7: {  	[tilespmem:$0xA050] =	vst v2  }
0xf8: {  	v8 =	vld [tilespmem:s2+$0x1060];
	_ =	sdelay $0x7  }
0xf9: {  	v8 =	vld.idx.msk [tilespmem:v8+s12+$0x0], $0xffff;
	_ =	sdelay $0x4  }
0xfa: {  	v1 =	vadd.f32 v1, v8;
	_ =	sdelay $0x1  }
0xfb: {  	[tilespmem:$0xA060] =	vst v1  }
0xfc: {  	v8 =	vld [tilespmem:s2+$0x1070];
	_ =	sdelay $0x7  }
0xfd: {  	v8 =	vld.idx.msk [tilespmem:v8+s12+$0x0], $0xffff;
	_ =	sdelay $0x1  }
0xfe: {  	p0 =	sne.s32 s0, $0x3A00  }
.Ltmp1:
0xff: {  	_ = 	snop;
	(pc) =	sbr.rel @p0 .LBB2_4-.Ltmp1, $3  }
0x100: {  	_ = 	snop  }
0x101: {  	v0 =	vadd.f32 v0, v8;
	_ =	sdelay $0x1  }
0x102: {  	s0 =	sadd.s32 $0x200, s0;
	[tilespmem:$0xA070] =	vst v0  }
0x103: {  	s18 =	simm.s32 $0x0;
	s0 =	rddreg [dreg:$0x9];
	s2 =	simm.s32 $0xA000  }
0x104: {  	[hbm4b:s0+s18] =	stream.linear.scatter [tilespmem:s2], [sflag:$0x9], $0x80, $0x38;
	[tilespmem:$0x115B0] =	vst v63  }
0x105: {  	_ =	swait.ge [sflag:s10], $0x80  }
0x106: {  	s1 =	sadd.s32 $0x1, s1;
	s31 =	rddreg [dreg:$0xa]  }
0x107: {  	p0 =	sne.s32 s1, s31  }
.Ltmp2:
0x108: {  	_ = 	snop;
	(pc) =	sbr.rel @p0 .LBB2_1-.Ltmp2, $3  }
0x109: {  	_ =	sdelay $0x1  }
0x10a: {  	[sflag:s10] =	ssyncset.done $0x0  }
0x10b: {  	[sflag:s10] =	ssyncadd.s32 $0xFFFFFF80  }
0x10c: {  	_ =	sfence.sel $0x180000  }
0x10d: {  	[bflag:$0x0] =	sbarrier.arrive $0xFFFF  }
0x10e: {  	_ =	strace $0x90000047  }
0x10f: {  	s0 =	stileid.u32;
	[bflag:$0x2] =	sbarrier.arrive $0xFFFF  }
0x110: {  	p0 =	sne.s32 s0, $0x0;
	s0 =	rddreg [dreg:$0x2]  }
0x111: {  	s0 =	sadd.s32 @!p0 $0x100000, s0  }
0x112: {  	[sflag:s0] =	ssyncadd.tile.s32 @!p0 $0x1;
	_ =	shalt  }
.Lfunc_end2:
_tile_overlayer_lowered:
.L_overlay_start_2:
0x113: {  	(tag) =	ssettag $0x2  }
0x114: {  	s0 =	rddreg [dreg:$0x0];
	s2 =	stileid.u32  }
0x115: {  	s1 =	rddreg [dreg:$0x1];
	p0 =	sne.s32 s2, $0x0  }
0x116: {  	s3 =	rddreg [dreg:$0x2];
	[bflag:$0x3] =	sbarrier.arrive $0xFFFF;
	s2 =	simm.s32 @!p0 $0x1C09  }
0x117: {  	[timem:s3], [sflag:s2] =	dma.local @!p0 [hbm:s0], s1  }
0x118: {  	s0 =	simm.s32 @!p0 $0x9  }
0x119: {  	_ =	swait.ge @!p0 [sflag:s0], s1  }
0x11a: {  	s1 =	ssub.s32 @!p0 $0x0, s1;
	[sflag:s0] =	ssyncset.done @!p0 $0x0  }
0x11b: {  	[sflag:s0] =	ssyncadd.s32 @!p0 s1  }
0x11c: {  	[bflag:$0x3] =	sbarrier.arrive $0xFFFF  }
0x11d: {  	_ =	shalt  }

</sc_bundles>
